<compile_context>
chip_gen: v7x
topology: tpu7x:2x2x1
jax: 0.10.2.dev20260603
libtpu: 0.0.44.dev20260713+nightly
codegen_flags: <defaults>
</compile_context>

<pallas_src>
import jax
import jax.numpy as jnp
from jax import lax
from jax.experimental import pallas as pl
from jax.experimental.pallas import tpu as pltpu
from jax.experimental.pallas import tpu_sc as plsc

N_NODES = 10000
N_EDGES = 320000
D_IN = 128
DIM = 32
BN_EPS = 1e-5

NC = 2
NS = 16
N_PAD = 10240
ROWS_PER_SUB = N_PAD // NS



def _make_col_body(nbuf, chunk, nchunk, dimh):
  def _body(y_hbm, src_hbm, dst_hbm, zeros_hbm, out_hbm,
            src_v, dst_v, rows_v, acc_sh, *sems):
    c = lax.axis_index("c")
    s = lax.axis_index("s")

    pltpu.sync_copy(src_hbm.at[c, s], src_v)
    pltpu.sync_copy(dst_hbm.at[s], dst_v)
    for b in range(nbuf):
        pltpu.async_copy(y_hbm.at[src_v.at[b]], rows_v.at[b], sems[b])
    pltpu.sync_copy(zeros_hbm.at[pl.ds(s * ROWS_PER_SUB, ROWS_PER_SUB)],
                    acc_sh.at[pl.ds(s * ROWS_PER_SUB, ROWS_PER_SUB)])
    plsc.subcore_barrier()

    def body(g, carry):
        for b in range(nbuf):
            j = g * nbuf + b
            pltpu.make_async_copy(y_hbm.at[src_v.at[j]], rows_v.at[b],
                                  sems[b]).wait()
            pltpu.sync_copy(rows_v.at[b], acc_sh.at[dst_v.at[j]], add=True)

            @pl.when(j + nbuf < nchunk)
            def _():
                pltpu.async_copy(y_hbm.at[src_v.at[j + nbuf]],
                                 rows_v.at[b], sems[b])
        return carry

    lax.fori_loop(0, nchunk // nbuf, body, 0, unroll=False)

    plsc.subcore_barrier()
    pltpu.sync_copy(acc_sh.at[pl.ds(s * ROWS_PER_SUB, ROWS_PER_SUB)],
                    out_hbm.at[pl.ds(s * ROWS_PER_SUB, ROWS_PER_SUB),
                               pl.ds(c * dimh, dimh)])
  return _body


def _make_edge_body(nbuf, chunk, nchunk):
  def _body(y_hbm, src_hbm, dst_hbm, zeros_hbm, out_hbm,
            src_v, dst_v, rows_v, acc_sh, *sems):
    c = lax.axis_index("c")
    s = lax.axis_index("s")
    wid = s * NC + c

    pltpu.sync_copy(src_hbm.at[wid], src_v)
    pltpu.sync_copy(dst_hbm.at[wid], dst_v)
    for b in range(nbuf):
        pltpu.async_copy(y_hbm.at[src_v.at[b]], rows_v.at[b], sems[b])
    pltpu.sync_copy(zeros_hbm.at[pl.ds(s * ROWS_PER_SUB, ROWS_PER_SUB)],
                    acc_sh.at[pl.ds(s * ROWS_PER_SUB, ROWS_PER_SUB)])
    plsc.subcore_barrier()

    def body(g, carry):
        for b in range(nbuf):
            j = g * nbuf + b
            pltpu.make_async_copy(y_hbm.at[src_v.at[j]], rows_v.at[b],
                                  sems[b]).wait()
            pltpu.sync_copy(rows_v.at[b], acc_sh.at[dst_v.at[j]], add=True)

            @pl.when(j + nbuf < nchunk)
            def _():
                pltpu.async_copy(y_hbm.at[src_v.at[j + nbuf]], rows_v.at[b],
                                 sems[b])
        return carry

    lax.fori_loop(0, nchunk // nbuf, body, 0, unroll=False)

    plsc.subcore_barrier()
    pltpu.sync_copy(acc_sh.at[pl.ds(s * ROWS_PER_SUB, ROWS_PER_SUB)],
                    out_hbm.at[c, pl.ds(s * ROWS_PER_SUB, ROWS_PER_SUB)])
  return _body


def _seg_sum_cols(y, src, dst, zeros, dim, nbuf, chunk):
    dimh = dim // 2
    nchunk = (N_EDGES // NS) // chunk
    yv = y.reshape(2 * N_NODES, dimh)
    st = src.reshape(NS, nchunk, chunk)
    src2 = jnp.stack([2 * st, 2 * st + 1])
    mesh = plsc.VectorSubcoreMesh(core_axis_name="c", subcore_axis_name="s")
    fn = pl.kernel(
        _make_col_body(nbuf, chunk, nchunk, dimh),
        out_type=jax.ShapeDtypeStruct((N_PAD, dim), jnp.float32),
        mesh=mesh,
        compiler_params=pltpu.CompilerParams(use_tc_tiling_on_sc=False),
        scratch_types=[
            pltpu.VMEM((nchunk, chunk), jnp.int32),
            pltpu.VMEM((nchunk, chunk), jnp.int32),
            pltpu.VMEM((nbuf, chunk, dimh), jnp.float32),
            pltpu.VMEM_SHARED((N_PAD, dimh), jnp.float32),
        ] + [pltpu.SemaphoreType.DMA] * nbuf,
    )
    return fn(yv, src2, dst.reshape(NS, nchunk, chunk), zeros)


def _seg_sum_edges(y, src, dst, zeros, dim, nbuf, chunk):
    nchunk = (N_EDGES // (NC * NS)) // chunk
    mesh = plsc.VectorSubcoreMesh(core_axis_name="c", subcore_axis_name="s")
    fn = pl.kernel(
        _make_edge_body(nbuf, chunk, nchunk),
        out_type=jax.ShapeDtypeStruct((NC, N_PAD, dim), jnp.float32),
        mesh=mesh,
        compiler_params=pltpu.CompilerParams(use_tc_tiling_on_sc=False),
        scratch_types=[
            pltpu.VMEM((nchunk, chunk), jnp.int32),
            pltpu.VMEM((nchunk, chunk), jnp.int32),
            pltpu.VMEM((nbuf, chunk, dim), jnp.float32),
            pltpu.VMEM_SHARED((N_PAD, dim), jnp.float32),
        ] + [pltpu.SemaphoreType.DMA] * nbuf,
    )
    return fn(y, src.reshape(NC * NS, nchunk, chunk),
              dst.reshape(NC * NS, nchunk, chunk), zeros)



def _bn(h, g, be):
    mu = jnp.mean(h, axis=0, keepdims=True)
    hc = h - mu
    var = jnp.mean(hc * hc, axis=0, keepdims=True)
    return hc * lax.rsqrt(var + BN_EPS) * g + be


def _layer1_body(x_ref, agg_ref, wa_ref, ba_ref, wb_ref, bb_ref, g_ref,
                 be_ref, o_ref):
    h0 = x_ref[...] + agg_ref[:N_NODES]
    t = jnp.maximum(
        jnp.dot(h0, wa_ref[...], preferred_element_type=jnp.float32)
        + ba_ref[...], 0.0)
    h = jnp.dot(t, wb_ref[...], preferred_element_type=jnp.float32) \
        + bb_ref[...]
    o_ref[...] = _bn(jnp.maximum(h, 0.0), g_ref[...], be_ref[...])


def _layer2_body(h_ref, agg_ref, wa_ref, ba_ref, wb_ref, bb_ref, g_ref,
                 be_ref, o_ref):
    h2 = h_ref[...] + agg_ref[0, :N_NODES] + agg_ref[1, :N_NODES]
    t = jnp.maximum(
        jnp.dot(h2, wa_ref[...], preferred_element_type=jnp.float32)
        + ba_ref[...], 0.0)
    h = jnp.dot(t, wb_ref[...], preferred_element_type=jnp.float32) \
        + bb_ref[...]
    o_ref[...] = _bn(jnp.maximum(h, 0.0), g_ref[...], be_ref[...])


def _layer1_tc(x, agg, wa, ba, wb, bb, g, be):
    return pl.pallas_call(
        _layer1_body,
        out_shape=jax.ShapeDtypeStruct((N_NODES, DIM), jnp.float32),
    )(x, agg, wa, ba, wb, bb, g, be)


def _layer2_tc(h, agg, wa, ba, wb, bb, g, be):
    return pl.pallas_call(
        _layer2_body,
        out_shape=jax.ShapeDtypeStruct((N_NODES, D_IN), jnp.float32),
    )(h, agg, wa, ba, wb, bb, g, be)



def kernel(x, edge_index, W1a, b1a, W1b, b1b, g1, be1,
           W2a, b2a, W2b, b2b, g2, be2):
    ei = edge_index.astype(jnp.int32)
    src = ei[0]
    dst = ei[1]
    zeros64 = jnp.zeros((N_PAD, D_IN // 2), jnp.float32)
    zeros32 = jnp.zeros((N_PAD, DIM), jnp.float32)

    p1 = _seg_sum_cols(x, src, dst, zeros64, D_IN, 4, 125)
    h1 = _layer1_tc(x, p1, W1a, b1a.reshape(1, DIM), W1b,
                    b1b.reshape(1, DIM), g1.reshape(1, DIM),
                    be1.reshape(1, DIM))
    p2 = _seg_sum_edges(h1, src, dst, zeros32, DIM, 8, 125)
    out = _layer2_tc(h1, p2, W2a, b2a.reshape(1, DIM), W2b,
                     b2b.reshape(1, D_IN), g2.reshape(1, D_IN),
                     be2.reshape(1, D_IN))
    return out

# --- scband reference (transcript-rebuilt; emitter-appended) ---
"""Pipeline reference for scband-graph-net-25168508354593 (READ-ONLY COPY).

The authoritative reference and input builder live on the scoring server;
editing this copy changes nothing except your own understanding.
"""

import jax, jax.numpy as jnp
import numpy as np

N_NODES = 10000
N_EDGES = 320000
D_IN = 128
DIM = 32
BN_EPS = 1e-5


def setup_inputs(seed: int = 0) -> dict:
    key = jax.random.key(seed)
    ks = jax.random.split(key, 12)
    x = jax.random.normal(ks[0], (N_NODES, D_IN), dtype=jnp.float32)
    edge_index = jax.random.randint(ks[1], (2, N_EDGES), 0, N_NODES, dtype=jnp.int64)
    # GINConv nn1: Linear(128,32) -> ReLU -> Linear(32,32)
    W1a = jax.random.normal(ks[2], (D_IN, DIM), dtype=jnp.float32) * (1.0 / np.sqrt(D_IN))
    b1a = jnp.zeros((DIM,), dtype=jnp.float32)
    W1b = jax.random.normal(ks[3], (DIM, DIM), dtype=jnp.float32) * (1.0 / np.sqrt(DIM))
    b1b = jnp.zeros((DIM,), dtype=jnp.float32)
    g1 = jnp.ones((DIM,), dtype=jnp.float32)
    be1 = jnp.zeros((DIM,), dtype=jnp.float32)
    # GINConv nn2: Linear(32,32) -> ReLU -> Linear(32,128)
    W2a = jax.random.normal(ks[4], (DIM, DIM), dtype=jnp.float32) * (1.0 / np.sqrt(DIM))
    b2a = jnp.zeros((DIM,), dtype=jnp.float32)
    W2b = jax.random.normal(ks[5], (DIM, D_IN), dtype=jnp.float32) * (1.0 / np.sqrt(DIM))
    b2b = jnp.zeros((D_IN,), dtype=jnp.float32)
    g2 = jnp.ones((D_IN,), dtype=jnp.float32)
    be2 = jnp.zeros((D_IN,), dtype=jnp.float32)
    return {"x": x, "edge_index": edge_index,
            "W1a": W1a, "b1a": b1a, "W1b": W1b, "b1b": b1b, "g1": g1, "be1": be1,
            "W2a": W2a, "b2a": b2a, "W2b": W2b, "b2b": b2b, "g2": g2, "be2": be2}


def _gin_aggregate(x, edge_index):
    # GIN with eps=0: h_i = (1+eps)*x_i + sum_{j in N(i)} x_j
    src = edge_index[0]
    dst = edge_index[1]
    msgs = jnp.take(x, src, axis=0)
    agg = jax.ops.segment_sum(msgs, dst, num_segments=x.shape[0])
    return x + agg


def _batchnorm_train(h, gamma, beta):
    mu = jnp.mean(h, axis=0)
    var = jnp.var(h, axis=0)  # biased, matches torch BN normalization
    return (h - mu) / jnp.sqrt(var + BN_EPS) * gamma + beta


def reference(x, edge_index, W1a, b1a, W1b, b1b, g1, be1, W2a, b2a, W2b, b2b, g2, be2):
    # conv1
    h = _gin_aggregate(x, edge_index)
    h = jnp.maximum(h @ W1a + b1a, 0.0) @ W1b + b1b
    h = jnp.maximum(h, 0.0)
    h = _batchnorm_train(h, g1, be1)
    # conv2
    h = _gin_aggregate(h, edge_index)
    h = jnp.maximum(h @ W2a + b2a, 0.0) @ W2b + b2b
    h = jnp.maximum(h, 0.0)
    h = _batchnorm_train(h, g2, be2)
    return h

if __name__ == "__main__":
    import jax
    _d = setup_inputs()
    print(jax.jit(kernel)(*tuple(_d.values())))

</pallas_src>

<mosaic_0001>
#map = affine_map<(d0, d1) -> (0, 0)>
#map1 = affine_map<(d0, d1) -> (0, 0, 0)>
module attributes {stable_mosaic.version = 14 : i64} {
  func.func @_body(%arg0: i32, %arg1: i32, %arg2: memref<10000x32xf32, #tpu.memory_space<hbm>>, %arg3: memref<32x80x125xi32, #tpu.memory_space<hbm>>, %arg4: memref<32x80x125xi32, #tpu.memory_space<hbm>>, %arg5: memref<10240x32xf32, #tpu.memory_space<hbm>>, %arg6: memref<2x10240x32xf32, #tpu.memory_space<hbm>>, %arg7: memref<80x125xi32, #tpu.memory_space<vmem>>, %arg8: memref<80x125xi32, #tpu.memory_space<vmem>>, %arg9: memref<8x125x32xf32, #tpu.memory_space<vmem>>, %arg10: memref<10240x32xf32, #tpu.memory_space<vmem_shared>>, %arg11: memref<!tpu.dma_semaphore, #tpu.memory_space<semaphore_mem>>, %arg12: memref<!tpu.dma_semaphore, #tpu.memory_space<semaphore_mem>>, %arg13: memref<!tpu.dma_semaphore, #tpu.memory_space<semaphore_mem>>, %arg14: memref<!tpu.dma_semaphore, #tpu.memory_space<semaphore_mem>>, %arg15: memref<!tpu.dma_semaphore, #tpu.memory_space<semaphore_mem>>, %arg16: memref<!tpu.dma_semaphore, #tpu.memory_space<semaphore_mem>>, %arg17: memref<!tpu.dma_semaphore, #tpu.memory_space<semaphore_mem>>, %arg18: memref<!tpu.dma_semaphore, #tpu.memory_space<semaphore_mem>>) attributes {dimension_semantics = [#tpu.dimension_semantics<core_parallel>, #tpu.dimension_semantics<subcore_parallel>], iteration_bounds = array<i64: 2, 16>, scalar_prefetch = 0 : i64, scratch_operands = 12 : i64, tpu.core_type = #tpu.core_type<sc_vector_subcore>, window_params = [{transform_indices = #map}, {transform_indices = #map1}, {transform_indices = #map1}, {transform_indices = #map}, {transform_indices = #map1}]} {
    %mul3A = arith.constant 2 : i32
    %mul3A_0 = arith.muli %arg1, %mul3A : i32
    %add3A = arith.addi %mul3A_0, %arg0 : i32
    "tpu.region"() ({
      %run_scoped3A = tpu.sem_alloc : memref<!tpu.dma_semaphore, #tpu.memory_space<semaphore_mem>>
      %dma_start3A_110 = arith.constant 0 : i32
      %dma_start3A_111 = arith.constant 0 : i32
      %dma_start3A_112 = tpu.memref_slice %arg3[%add3A, %dma_start3A_110, %dma_start3A_111] : memref<32x80x125xi32, #tpu.memory_space<hbm>> -> memref<1x80x125xi32, #tpu.memory_space<hbm>>
      %dma_start3A_113 = tpu.memref_squeeze %dma_start3A_112 : memref<1x80x125xi32, #tpu.memory_space<hbm>> -> memref<80x125xi32, #tpu.memory_space<hbm>>
      %dma_start3A_114 = arith.constant 0 : i32
      %dma_start3A_115 = arith.constant 0 : i32
      %dma_start3A_116 = tpu.memref_slice %arg3[%add3A, %dma_start3A_114, %dma_start3A_115] : memref<32x80x125xi32, #tpu.memory_space<hbm>> -> memref<1x80x125xi32, #tpu.memory_space<hbm>>
      %dma_start3A_117 = tpu.memref_squeeze %dma_start3A_116 : memref<1x80x125xi32, #tpu.memory_space<hbm>> -> memref<80x125xi32, #tpu.memory_space<hbm>>
      tpu.enqueue_dma source(%dma_start3A_117 : memref<80x125xi32, #tpu.memory_space<hbm>>) target(%arg7 : memref<80x125xi32, #tpu.memory_space<vmem>>) target_semaphore(%run_scoped3A : memref<!tpu.dma_semaphore, #tpu.memory_space<semaphore_mem>>)
      %dma_wait3A = arith.constant 0 : i32
      %dma_wait3A_118 = arith.constant 0 : i32
      %dma_wait3A_119 = tpu.memref_slice %arg3[%add3A, %dma_wait3A, %dma_wait3A_118] : memref<32x80x125xi32, #tpu.memory_space<hbm>> -> memref<1x80x125xi32, #tpu.memory_space<hbm>>
      %dma_wait3A_120 = tpu.memref_squeeze %dma_wait3A_119 : memref<1x80x125xi32, #tpu.memory_space<hbm>> -> memref<80x125xi32, #tpu.memory_space<hbm>>
      %dma_wait3A_121 = arith.constant 0 : i32
      %dma_wait3A_122 = arith.constant 0 : i32
      %dma_wait3A_123 = tpu.memref_slice %arg3[%add3A, %dma_wait3A_121, %dma_wait3A_122] : memref<32x80x125xi32, #tpu.memory_space<hbm>> -> memref<1x80x125xi32, #tpu.memory_space<hbm>>
      %dma_wait3A_124 = tpu.memref_squeeze %dma_wait3A_123 : memref<1x80x125xi32, #tpu.memory_space<hbm>> -> memref<80x125xi32, #tpu.memory_space<hbm>>
      tpu.wait_dma2 semaphore(%run_scoped3A : memref<!tpu.dma_semaphore, #tpu.memory_space<semaphore_mem>>) src(%dma_wait3A_124 : memref<80x125xi32, #tpu.memory_space<hbm>>) dst(%arg7 : memref<80x125xi32, #tpu.memory_space<vmem>>)
      tpu.yield
    }) : () -> ()
    "tpu.region"() ({
      %run_scoped3A = tpu.sem_alloc : memref<!tpu.dma_semaphore, #tpu.memory_space<semaphore_mem>>
      %dma_start3A_110 = arith.constant 0 : i32
      %dma_start3A_111 = arith.constant 0 : i32
      %dma_start3A_112 = tpu.memref_slice %arg4[%add3A, %dma_start3A_110, %dma_start3A_111] : memref<32x80x125xi32, #tpu.memory_space<hbm>> -> memref<1x80x125xi32, #tpu.memory_space<hbm>>
      %dma_start3A_113 = tpu.memref_squeeze %dma_start3A_112 : memref<1x80x125xi32, #tpu.memory_space<hbm>> -> memref<80x125xi32, #tpu.memory_space<hbm>>
      %dma_start3A_114 = arith.constant 0 : i32
      %dma_start3A_115 = arith.constant 0 : i32
      %dma_start3A_116 = tpu.memref_slice %arg4[%add3A, %dma_start3A_114, %dma_start3A_115] : memref<32x80x125xi32, #tpu.memory_space<hbm>> -> memref<1x80x125xi32, #tpu.memory_space<hbm>>
      %dma_start3A_117 = tpu.memref_squeeze %dma_start3A_116 : memref<1x80x125xi32, #tpu.memory_space<hbm>> -> memref<80x125xi32, #tpu.memory_space<hbm>>
      tpu.enqueue_dma source(%dma_start3A_117 : memref<80x125xi32, #tpu.memory_space<hbm>>) target(%arg8 : memref<80x125xi32, #tpu.memory_space<vmem>>) target_semaphore(%run_scoped3A : memref<!tpu.dma_semaphore, #tpu.memory_space<semaphore_mem>>)
      %dma_wait3A = arith.constant 0 : i32
      %dma_wait3A_118 = arith.constant 0 : i32
      %dma_wait3A_119 = tpu.memref_slice %arg4[%add3A, %dma_wait3A, %dma_wait3A_118] : memref<32x80x125xi32, #tpu.memory_space<hbm>> -> memref<1x80x125xi32, #tpu.memory_space<hbm>>
      %dma_wait3A_120 = tpu.memref_squeeze %dma_wait3A_119 : memref<1x80x125xi32, #tpu.memory_space<hbm>> -> memref<80x125xi32, #tpu.memory_space<hbm>>
      %dma_wait3A_121 = arith.constant 0 : i32
      %dma_wait3A_122 = arith.constant 0 : i32
      %dma_wait3A_123 = tpu.memref_slice %arg4[%add3A, %dma_wait3A_121, %dma_wait3A_122] : memref<32x80x125xi32, #tpu.memory_space<hbm>> -> memref<1x80x125xi32, #tpu.memory_space<hbm>>
      %dma_wait3A_124 = tpu.memref_squeeze %dma_wait3A_123 : memref<1x80x125xi32, #tpu.memory_space<hbm>> -> memref<80x125xi32, #tpu.memory_space<hbm>>
      tpu.wait_dma2 semaphore(%run_scoped3A : memref<!tpu.dma_semaphore, #tpu.memory_space<semaphore_mem>>) src(%dma_wait3A_124 : memref<80x125xi32, #tpu.memory_space<hbm>>) dst(%arg8 : memref<80x125xi32, #tpu.memory_space<vmem>>)
      tpu.yield
    }) : () -> ()
    %dma_start3A = arith.constant 0 : i32
    %dma_start3A_1 = arith.constant 0 : i32
    %dma_start3A_2 = arith.constant 0 : i32
    %dma_start3A_3 = arith.constant 0 : i32
    %dma_start3A_4 = tpu.memref_slice %arg9[%dma_start3A_1, %dma_start3A_2, %dma_start3A_3] : memref<8x125x32xf32, #tpu.memory_space<vmem>> -> memref<1x125x32xf32, #tpu.memory_space<vmem>>
    %dma_start3A_5 = tpu.memref_squeeze %dma_start3A_4 : memref<1x125x32xf32, #tpu.memory_space<vmem>> -> memref<125x32xf32, #tpu.memory_space<vmem>>
    %dma_start3A_6 = arith.constant 0 : i32
    %dma_start3A_7 = tpu.memref_slice %arg7[%dma_start3A, %dma_start3A_6] : memref<80x125xi32, #tpu.memory_space<vmem>> -> memref<1x125xi32, #tpu.memory_space<vmem>>
    %dma_start3A_8 = tpu.memref_squeeze %dma_start3A_7 : memref<1x125xi32, #tpu.memory_space<vmem>> -> memref<125xi32, #tpu.memory_space<vmem>>
    %dma_start3A_9 = arith.constant 0 : i32
    %dma_start3A_10 = arith.constant 0 : i32
    %dma_start3A_11 = tpu.memref_slice %arg2[%dma_start3A_9, %dma_start3A_10] : memref<10000x32xf32, #tpu.memory_space<hbm>> -> memref<10000x32xf32, #tpu.memory_space<hbm>>
    tpu.enqueue_indirect_dma source(%dma_start3A_11 : memref<10000x32xf32, #tpu.memory_space<hbm>>) target(%dma_start3A_5 : memref<125x32xf32, #tpu.memory_space<vmem>>) offsets(%dma_start3A_8 : memref<125xi32, #tpu.memory_space<vmem>>) semaphore(%arg11 : memref<!tpu.dma_semaphore, #tpu.memory_space<semaphore_mem>>)
    %dma_start3A_12 = arith.constant 1 : i32
    %dma_start3A_13 = arith.constant 1 : i32
    %dma_start3A_14 = arith.constant 0 : i32
    %dma_start3A_15 = arith.constant 0 : i32
    %dma_start3A_16 = tpu.memref_slice %arg9[%dma_start3A_13, %dma_start3A_14, %dma_start3A_15] : memref<8x125x32xf32, #tpu.memory_space<vmem>> -> memref<1x125x32xf32, #tpu.memory_space<vmem>>
    %dma_start3A_17 = tpu.memref_squeeze %dma_start3A_16 : memref<1x125x32xf32, #tpu.memory_space<vmem>> -> memref<125x32xf32, #tpu.memory_space<vmem>>
    %dma_start3A_18 = arith.constant 0 : i32
    %dma_start3A_19 = tpu.memref_slice %arg7[%dma_start3A_12, %dma_start3A_18] : memref<80x125xi32, #tpu.memory_space<vmem>> -> memref<1x125xi32, #tpu.memory_space<vmem>>
    %dma_start3A_20 = tpu.memref_squeeze %dma_start3A_19 : memref<1x125xi32, #tpu.memory_space<vmem>> -> memref<125xi32, #tpu.memory_space<vmem>>
    %dma_start3A_21 = arith.constant 0 : i32
    %dma_start3A_22 = arith.constant 0 : i32
    %dma_start3A_23 = tpu.memref_slice %arg2[%dma_start3A_21, %dma_start3A_22] : memref<10000x32xf32, #tpu.memory_space<hbm>> -> memref<10000x32xf32, #tpu.memory_space<hbm>>
    tpu.enqueue_indirect_dma source(%dma_start3A_23 : memref<10000x32xf32, #tpu.memory_space<hbm>>) target(%dma_start3A_17 : memref<125x32xf32, #tpu.memory_space<vmem>>) offsets(%dma_start3A_20 : memref<125xi32, #tpu.memory_space<vmem>>) semaphore(%arg12 : memref<!tpu.dma_semaphore, #tpu.memory_space<semaphore_mem>>)
    %dma_start3A_24 = arith.constant 2 : i32
    %dma_start3A_25 = arith.constant 2 : i32
    %dma_start3A_26 = arith.constant 0 : i32
    %dma_start3A_27 = arith.constant 0 : i32
    %dma_start3A_28 = tpu.memref_slice %arg9[%dma_start3A_25, %dma_start3A_26, %dma_start3A_27] : memref<8x125x32xf32, #tpu.memory_space<vmem>> -> memref<1x125x32xf32, #tpu.memory_space<vmem>>
    %dma_start3A_29 = tpu.memref_squeeze %dma_start3A_28 : memref<1x125x32xf32, #tpu.memory_space<vmem>> -> memref<125x32xf32, #tpu.memory_space<vmem>>
    %dma_start3A_30 = arith.constant 0 : i32
    %dma_start3A_31 = tpu.memref_slice %arg7[%dma_start3A_24, %dma_start3A_30] : memref<80x125xi32, #tpu.memory_space<vmem>> -> memref<1x125xi32, #tpu.memory_space<vmem>>
    %dma_start3A_32 = tpu.memref_squeeze %dma_start3A_31 : memref<1x125xi32, #tpu.memory_space<vmem>> -> memref<125xi32, #tpu.memory_space<vmem>>
    %dma_start3A_33 = arith.constant 0 : i32
    %dma_start3A_34 = arith.constant 0 : i32
    %dma_start3A_35 = tpu.memref_slice %arg2[%dma_start3A_33, %dma_start3A_34] : memref<10000x32xf32, #tpu.memory_space<hbm>> -> memref<10000x32xf32, #tpu.memory_space<hbm>>
    tpu.enqueue_indirect_dma source(%dma_start3A_35 : memref<10000x32xf32, #tpu.memory_space<hbm>>) target(%dma_start3A_29 : memref<125x32xf32, #tpu.memory_space<vmem>>) offsets(%dma_start3A_32 : memref<125xi32, #tpu.memory_space<vmem>>) semaphore(%arg13 : memref<!tpu.dma_semaphore, #tpu.memory_space<semaphore_mem>>)
    %dma_start3A_36 = arith.constant 3 : i32
    %dma_start3A_37 = arith.constant 3 : i32
    %dma_start3A_38 = arith.constant 0 : i32
    %dma_start3A_39 = arith.constant 0 : i32
    %dma_start3A_40 = tpu.memref_slice %arg9[%dma_start3A_37, %dma_start3A_38, %dma_start3A_39] : memref<8x125x32xf32, #tpu.memory_space<vmem>> -> memref<1x125x32xf32, #tpu.memory_space<vmem>>
    %dma_start3A_41 = tpu.memref_squeeze %dma_start3A_40 : memref<1x125x32xf32, #tpu.memory_space<vmem>> -> memref<125x32xf32, #tpu.memory_space<vmem>>
    %dma_start3A_42 = arith.constant 0 : i32
    %dma_start3A_43 = tpu.memref_slice %arg7[%dma_start3A_36, %dma_start3A_42] : memref<80x125xi32, #tpu.memory_space<vmem>> -> memref<1x125xi32, #tpu.memory_space<vmem>>
    %dma_start3A_44 = tpu.memref_squeeze %dma_start3A_43 : memref<1x125xi32, #tpu.memory_space<vmem>> -> memref<125xi32, #tpu.memory_space<vmem>>
    %dma_start3A_45 = arith.constant 0 : i32
    %dma_start3A_46 = arith.constant 0 : i32
    %dma_start3A_47 = tpu.memref_slice %arg2[%dma_start3A_45, %dma_start3A_46] : memref<10000x32xf32, #tpu.memory_space<hbm>> -> memref<10000x32xf32, #tpu.memory_space<hbm>>
    tpu.enqueue_indirect_dma source(%dma_start3A_47 : memref<10000x32xf32, #tpu.memory_space<hbm>>) target(%dma_start3A_41 : memref<125x32xf32, #tpu.memory_space<vmem>>) offsets(%dma_start3A_44 : memref<125xi32, #tpu.memory_space<vmem>>) semaphore(%arg14 : memref<!tpu.dma_semaphore, #tpu.memory_space<semaphore_mem>>)
    %dma_start3A_48 = arith.constant 4 : i32
    %dma_start3A_49 = arith.constant 4 : i32
    %dma_start3A_50 = arith.constant 0 : i32
    %dma_start3A_51 = arith.constant 0 : i32
    %dma_start3A_52 = tpu.memref_slice %arg9[%dma_start3A_49, %dma_start3A_50, %dma_start3A_51] : memref<8x125x32xf32, #tpu.memory_space<vmem>> -> memref<1x125x32xf32, #tpu.memory_space<vmem>>
    %dma_start3A_53 = tpu.memref_squeeze %dma_start3A_52 : memref<1x125x32xf32, #tpu.memory_space<vmem>> -> memref<125x32xf32, #tpu.memory_space<vmem>>
    %dma_start3A_54 = arith.constant 0 : i32
    %dma_start3A_55 = tpu.memref_slice %arg7[%dma_start3A_48, %dma_start3A_54] : memref<80x125xi32, #tpu.memory_space<vmem>> -> memref<1x125xi32, #tpu.memory_space<vmem>>
    %dma_start3A_56 = tpu.memref_squeeze %dma_start3A_55 : memref<1x125xi32, #tpu.memory_space<vmem>> -> memref<125xi32, #tpu.memory_space<vmem>>
    %dma_start3A_57 = arith.constant 0 : i32
    %dma_start3A_58 = arith.constant 0 : i32
    %dma_start3A_59 = tpu.memref_slice %arg2[%dma_start3A_57, %dma_start3A_58] : memref<10000x32xf32, #tpu.memory_space<hbm>> -> memref<10000x32xf32, #tpu.memory_space<hbm>>
    tpu.enqueue_indirect_dma source(%dma_start3A_59 : memref<10000x32xf32, #tpu.memory_space<hbm>>) target(%dma_start3A_53 : memref<125x32xf32, #tpu.memory_space<vmem>>) offsets(%dma_start3A_56 : memref<125xi32, #tpu.memory_space<vmem>>) semaphore(%arg15 : memref<!tpu.dma_semaphore, #tpu.memory_space<semaphore_mem>>)
    %dma_start3A_60 = arith.constant 5 : i32
    %dma_start3A_61 = arith.constant 5 : i32
    %dma_start3A_62 = arith.constant 0 : i32
    %dma_start3A_63 = arith.constant 0 : i32
    %dma_start3A_64 = tpu.memref_slice %arg9[%dma_start3A_61, %dma_start3A_62, %dma_start3A_63] : memref<8x125x32xf32, #tpu.memory_space<vmem>> -> memref<1x125x32xf32, #tpu.memory_space<vmem>>
    %dma_start3A_65 = tpu.memref_squeeze %dma_start3A_64 : memref<1x125x32xf32, #tpu.memory_space<vmem>> -> memref<125x32xf32, #tpu.memory_space<vmem>>
    %dma_start3A_66 = arith.constant 0 : i32
    %dma_start3A_67 = tpu.memref_slice %arg7[%dma_start3A_60, %dma_start3A_66] : memref<80x125xi32, #tpu.memory_space<vmem>> -> memref<1x125xi32, #tpu.memory_space<vmem>>
    %dma_start3A_68 = tpu.memref_squeeze %dma_start3A_67 : memref<1x125xi32, #tpu.memory_space<vmem>> -> memref<125xi32, #tpu.memory_space<vmem>>
    %dma_start3A_69 = arith.constant 0 : i32
    %dma_start3A_70 = arith.constant 0 : i32
    %dma_start3A_71 = tpu.memref_slice %arg2[%dma_start3A_69, %dma_start3A_70] : memref<10000x32xf32, #tpu.memory_space<hbm>> -> memref<10000x32xf32, #tpu.memory_space<hbm>>
    tpu.enqueue_indirect_dma source(%dma_start3A_71 : memref<10000x32xf32, #tpu.memory_space<hbm>>) target(%dma_start3A_65 : memref<125x32xf32, #tpu.memory_space<vmem>>) offsets(%dma_start3A_68 : memref<125xi32, #tpu.memory_space<vmem>>) semaphore(%arg16 : memref<!tpu.dma_semaphore, #tpu.memory_space<semaphore_mem>>)
    %dma_start3A_72 = arith.constant 6 : i32
    %dma_start3A_73 = arith.constant 6 : i32
    %dma_start3A_74 = arith.constant 0 : i32
    %dma_start3A_75 = arith.constant 0 : i32
    %dma_start3A_76 = tpu.memref_slice %arg9[%dma_start3A_73, %dma_start3A_74, %dma_start3A_75] : memref<8x125x32xf32, #tpu.memory_space<vmem>> -> memref<1x125x32xf32, #tpu.memory_space<vmem>>
    %dma_start3A_77 = tpu.memref_squeeze %dma_start3A_76 : memref<1x125x32xf32, #tpu.memory_space<vmem>> -> memref<125x32xf32, #tpu.memory_space<vmem>>
    %dma_start3A_78 = arith.constant 0 : i32
    %dma_start3A_79 = tpu.memref_slice %arg7[%dma_start3A_72, %dma_start3A_78] : memref<80x125xi32, #tpu.memory_space<vmem>> -> memref<1x125xi32, #tpu.memory_space<vmem>>
    %dma_start3A_80 = tpu.memref_squeeze %dma_start3A_79 : memref<1x125xi32, #tpu.memory_space<vmem>> -> memref<125xi32, #tpu.memory_space<vmem>>
    %dma_start3A_81 = arith.constant 0 : i32
    %dma_start3A_82 = arith.constant 0 : i32
    %dma_start3A_83 = tpu.memref_slice %arg2[%dma_start3A_81, %dma_start3A_82] : memref<10000x32xf32, #tpu.memory_space<hbm>> -> memref<10000x32xf32, #tpu.memory_space<hbm>>
    tpu.enqueue_indirect_dma source(%dma_start3A_83 : memref<10000x32xf32, #tpu.memory_space<hbm>>) target(%dma_start3A_77 : memref<125x32xf32, #tpu.memory_space<vmem>>) offsets(%dma_start3A_80 : memref<125xi32, #tpu.memory_space<vmem>>) semaphore(%arg17 : memref<!tpu.dma_semaphore, #tpu.memory_space<semaphore_mem>>)
    %dma_start3A_84 = arith.constant 7 : i32
    %dma_start3A_85 = arith.constant 7 : i32
    %dma_start3A_86 = arith.constant 0 : i32
    %dma_start3A_87 = arith.constant 0 : i32
    %dma_start3A_88 = tpu.memref_slice %arg9[%dma_start3A_85, %dma_start3A_86, %dma_start3A_87] : memref<8x125x32xf32, #tpu.memory_space<vmem>> -> memref<1x125x32xf32, #tpu.memory_space<vmem>>
    %dma_start3A_89 = tpu.memref_squeeze %dma_start3A_88 : memref<1x125x32xf32, #tpu.memory_space<vmem>> -> memref<125x32xf32, #tpu.memory_space<vmem>>
    %dma_start3A_90 = arith.constant 0 : i32
    %dma_start3A_91 = tpu.memref_slice %arg7[%dma_start3A_84, %dma_start3A_90] : memref<80x125xi32, #tpu.memory_space<vmem>> -> memref<1x125xi32, #tpu.memory_space<vmem>>
    %dma_start3A_92 = tpu.memref_squeeze %dma_start3A_91 : memref<1x125xi32, #tpu.memory_space<vmem>> -> memref<125xi32, #tpu.memory_space<vmem>>
    %dma_start3A_93 = arith.constant 0 : i32
    %dma_start3A_94 = arith.constant 0 : i32
    %dma_start3A_95 = tpu.memref_slice %arg2[%dma_start3A_93, %dma_start3A_94] : memref<10000x32xf32, #tpu.memory_space<hbm>> -> memref<10000x32xf32, #tpu.memory_space<hbm>>
    tpu.enqueue_indirect_dma source(%dma_start3A_95 : memref<10000x32xf32, #tpu.memory_space<hbm>>) target(%dma_start3A_89 : memref<125x32xf32, #tpu.memory_space<vmem>>) offsets(%dma_start3A_92 : memref<125xi32, #tpu.memory_space<vmem>>) semaphore(%arg18 : memref<!tpu.dma_semaphore, #tpu.memory_space<semaphore_mem>>)
    %mul3A_96 = arith.constant 640 : i32
    %mul3A_97 = arith.muli %arg1, %mul3A_96 : i32
    %mul3A_98 = arith.constant 640 : i32
    %mul3A_99 = arith.muli %arg1, %mul3A_98 : i32
    "tpu.region"() ({
      %run_scoped3A = tpu.sem_alloc : memref<!tpu.dma_semaphore, #tpu.memory_space<semaphore_mem>>
      %dma_start3A_110 = arith.constant 0 : i32
      %dma_start3A_111 = tpu.memref_slice %arg10[%mul3A_99, %dma_start3A_110] : memref<10240x32xf32, #tpu.memory_space<vmem_shared>> -> memref<640x32xf32, #tpu.memory_space<vmem_shared>>
      %dma_start3A_112 = arith.constant 0 : i32
      %dma_start3A_113 = tpu.memref_slice %arg5[%mul3A_97, %dma_start3A_112] : memref<10240x32xf32, #tpu.memory_space<hbm>> -> memref<640x32xf32, #tpu.memory_space<hbm>>
      tpu.enqueue_dma source(%dma_start3A_113 : memref<640x32xf32, #tpu.memory_space<hbm>>) target(%dma_start3A_111 : memref<640x32xf32, #tpu.memory_space<vmem_shared>>) target_semaphore(%run_scoped3A : memref<!tpu.dma_semaphore, #tpu.memory_space<semaphore_mem>>)
      %dma_wait3A = arith.constant 0 : i32
      %dma_wait3A_114 = tpu.memref_slice %arg10[%mul3A_99, %dma_wait3A] : memref<10240x32xf32, #tpu.memory_space<vmem_shared>> -> memref<640x32xf32, #tpu.memory_space<vmem_shared>>
      %dma_wait3A_115 = arith.constant 0 : i32
      %dma_wait3A_116 = tpu.memref_slice %arg5[%mul3A_97, %dma_wait3A_115] : memref<10240x32xf32, #tpu.memory_space<hbm>> -> memref<640x32xf32, #tpu.memory_space<hbm>>
      tpu.wait_dma2 semaphore(%run_scoped3A : memref<!tpu.dma_semaphore, #tpu.memory_space<semaphore_mem>>) src(%dma_wait3A_116 : memref<640x32xf32, #tpu.memory_space<hbm>>) dst(%dma_wait3A_114 : memref<640x32xf32, #tpu.memory_space<vmem_shared>>)
      tpu.yield
    }) : () -> ()
    %barrier3A = arith.constant 0 : index
    tpu.barrier barrier_id(%barrier3A)
    %scan3A = arith.constant 0 : i32
    %scan3A_100 = arith.constant 0 : i32
    %scan3A_101 = arith.constant 10 : i32
    %scan3A_102 = arith.addi %scan3A_100, %scan3A_101 : i32
    %scan3A_103 = arith.constant 1 : i32
    scf.for %scan3A_110 = %scan3A_100 to %scan3A_102 step %scan3A_103  : i32 {
      %mul3A_111 = arith.constant 8 : i32
      %mul3A_112 = arith.muli %scan3A_110, %mul3A_111 : i32
      %add3A_113 = arith.constant 0 : i32
      %add3A_114 = arith.addi %mul3A_112, %add3A_113 : i32
      %dma_wait3A = arith.constant 0 : i32
      %dma_wait3A_115 = arith.constant 0 : i32
      %dma_wait3A_116 = arith.constant 0 : i32
      %dma_wait3A_117 = tpu.memref_slice %arg9[%dma_wait3A, %dma_wait3A_115, %dma_wait3A_116] : memref<8x125x32xf32, #tpu.memory_space<vmem>> -> memref<1x125x32xf32, #tpu.memory_space<vmem>>
      %dma_wait3A_118 = tpu.memref_squeeze %dma_wait3A_117 : memref<1x125x32xf32, #tpu.memory_space<vmem>> -> memref<125x32xf32, #tpu.memory_space<vmem>>
      %dma_wait3A_119 = arith.constant 0 : i32
      %dma_wait3A_120 = tpu.memref_slice %arg7[%add3A_114, %dma_wait3A_119] : memref<80x125xi32, #tpu.memory_space<vmem>> -> memref<1x125xi32, #tpu.memory_space<vmem>>
      %dma_wait3A_121 = tpu.memref_squeeze %dma_wait3A_120 : memref<1x125xi32, #tpu.memory_space<vmem>> -> memref<125xi32, #tpu.memory_space<vmem>>
      %dma_wait3A_122 = arith.constant 0 : i32
      %dma_wait3A_123 = arith.constant 0 : i32
      %dma_wait3A_124 = tpu.memref_slice %arg2[%dma_wait3A_122, %dma_wait3A_123] : memref<10000x32xf32, #tpu.memory_space<hbm>> -> memref<10000x32xf32, #tpu.memory_space<hbm>>
      tpu.wait_indirect_dma semaphore(%arg11 : memref<!tpu.dma_semaphore, #tpu.memory_space<semaphore_mem>>) src(%dma_wait3A_124 : memref<10000x32xf32, #tpu.memory_space<hbm>>) dst(%dma_wait3A_118 : memref<125x32xf32, #tpu.memory_space<vmem>>)
      %run_scoped3A = arith.constant 0 : i32
      "tpu.region"() ({
        %run_scoped3A_290 = tpu.sem_alloc : memref<!tpu.dma_semaphore, #tpu.memory_space<semaphore_mem>>
        %dma_start3A_291 = arith.constant 0 : i32
        %dma_start3A_292 = arith.constant 0 : i32
        %dma_start3A_293 = tpu.memref_slice %arg9[%run_scoped3A, %dma_start3A_291, %dma_start3A_292] : memref<8x125x32xf32, #tpu.memory_space<vmem>> -> memref<1x125x32xf32, #tpu.memory_space<vmem>>
        %dma_start3A_294 = tpu.memref_squeeze %dma_start3A_293 : memref<1x125x32xf32, #tpu.memory_space<vmem>> -> memref<125x32xf32, #tpu.memory_space<vmem>>
        %dma_start3A_295 = arith.constant 0 : i32
        %dma_start3A_296 = tpu.memref_slice %arg8[%add3A_114, %dma_start3A_295] : memref<80x125xi32, #tpu.memory_space<vmem>> -> memref<1x125xi32, #tpu.memory_space<vmem>>
        %dma_start3A_297 = tpu.memref_squeeze %dma_start3A_296 : memref<1x125xi32, #tpu.memory_space<vmem>> -> memref<125xi32, #tpu.memory_space<vmem>>
        %dma_start3A_298 = arith.constant 0 : i32
        %dma_start3A_299 = arith.constant 0 : i32
        %dma_start3A_300 = tpu.memref_slice %arg10[%dma_start3A_298, %dma_start3A_299] : memref<10240x32xf32, #tpu.memory_space<vmem_shared>> -> memref<10240x32xf32, #tpu.memory_space<vmem_shared>>
        tpu.enqueue_indirect_dma source(%dma_start3A_294 : memref<125x32xf32, #tpu.memory_space<vmem>>) target(%dma_start3A_300 : memref<10240x32xf32, #tpu.memory_space<vmem_shared>>) offsets(%dma_start3A_297 : memref<125xi32, #tpu.memory_space<vmem>>) semaphore(%run_scoped3A_290 : memref<!tpu.dma_semaphore, #tpu.memory_space<semaphore_mem>>) {add = true}
        %dma_wait3A_301 = arith.constant 0 : i32
        %dma_wait3A_302 = arith.constant 0 : i32
        %dma_wait3A_303 = tpu.memref_slice %arg9[%run_scoped3A, %dma_wait3A_301, %dma_wait3A_302] : memref<8x125x32xf32, #tpu.memory_space<vmem>> -> memref<1x125x32xf32, #tpu.memory_space<vmem>>
        %dma_wait3A_304 = tpu.memref_squeeze %dma_wait3A_303 : memref<1x125x32xf32, #tpu.memory_space<vmem>> -> memref<125x32xf32, #tpu.memory_space<vmem>>
        %dma_wait3A_305 = arith.constant 0 : i32
        %dma_wait3A_306 = tpu.memref_slice %arg8[%add3A_114, %dma_wait3A_305] : memref<80x125xi32, #tpu.memory_space<vmem>> -> memref<1x125xi32, #tpu.memory_space<vmem>>
        %dma_wait3A_307 = tpu.memref_squeeze %dma_wait3A_306 : memref<1x125xi32, #tpu.memory_space<vmem>> -> memref<125xi32, #tpu.memory_space<vmem>>
        %dma_wait3A_308 = arith.constant 0 : i32
        %dma_wait3A_309 = arith.constant 0 : i32
        %dma_wait3A_310 = tpu.memref_slice %arg10[%dma_wait3A_308, %dma_wait3A_309] : memref<10240x32xf32, #tpu.memory_space<vmem_shared>> -> memref<10240x32xf32, #tpu.memory_space<vmem_shared>>
        tpu.wait_indirect_dma semaphore(%run_scoped3A_290 : memref<!tpu.dma_semaphore, #tpu.memory_space<semaphore_mem>>) src(%dma_wait3A_304 : memref<125x32xf32, #tpu.memory_space<vmem>>) dst(%dma_wait3A_310 : memref<10240x32xf32, #tpu.memory_space<vmem_shared>>)
        tpu.yield
      }) : () -> ()
      %add3A_125 = arith.constant 8 : i32
      %add3A_126 = arith.addi %add3A_114, %add3A_125 : i32
      %lt3A = arith.constant 80 : i32
      %lt3A_127 = arith.cmpi slt, %add3A_126, %lt3A : i32
      %convert_element_type3A = arith.extui %lt3A_127 : i1 to i32
      %cond3A = arith.constant 0 : i32
      %cond3A_128 = arith.cmpi ne, %convert_element_type3A, %cond3A : i32
      scf.if %cond3A_128 {
        %add3A_290 = arith.constant 8 : i32
        %add3A_291 = arith.addi %add3A_114, %add3A_290 : i32
        %dma_start3A_292 = arith.constant 0 : i32
        %dma_start3A_293 = arith.constant 0 : i32
        %dma_start3A_294 = arith.constant 0 : i32
        %dma_start3A_295 = tpu.memref_slice %arg9[%dma_start3A_292, %dma_start3A_293, %dma_start3A_294] : memref<8x125x32xf32, #tpu.memory_space<vmem>> -> memref<1x125x32xf32, #tpu.memory_space<vmem>>
        %dma_start3A_296 = tpu.memref_squeeze %dma_start3A_295 : memref<1x125x32xf32, #tpu.memory_space<vmem>> -> memref<125x32xf32, #tpu.memory_space<vmem>>
        %dma_start3A_297 = arith.constant 0 : i32
        %dma_start3A_298 = tpu.memref_slice %arg7[%add3A_291, %dma_start3A_297] : memref<80x125xi32, #tpu.memory_space<vmem>> -> memref<1x125xi32, #tpu.memory_space<vmem>>
        %dma_start3A_299 = tpu.memref_squeeze %dma_start3A_298 : memref<1x125xi32, #tpu.memory_space<vmem>> -> memref<125xi32, #tpu.memory_space<vmem>>
        %dma_start3A_300 = arith.constant 0 : i32
        %dma_start3A_301 = arith.constant 0 : i32
        %dma_start3A_302 = tpu.memref_slice %arg2[%dma_start3A_300, %dma_start3A_301] : memref<10000x32xf32, #tpu.memory_space<hbm>> -> memref<10000x32xf32, #tpu.memory_space<hbm>>
        tpu.enqueue_indirect_dma source(%dma_start3A_302 : memref<10000x32xf32, #tpu.memory_space<hbm>>) target(%dma_start3A_296 : memref<125x32xf32, #tpu.memory_space<vmem>>) offsets(%dma_start3A_299 : memref<125xi32, #tpu.memory_space<vmem>>) semaphore(%arg11 : memref<!tpu.dma_semaphore, #tpu.memory_space<semaphore_mem>>)
      } else {
      }
      %mul3A_129 = arith.constant 8 : i32
      %mul3A_130 = arith.muli %scan3A_110, %mul3A_129 : i32
      %add3A_131 = arith.constant 1 : i32
      %add3A_132 = arith.addi %mul3A_130, %add3A_131 : i32
      %dma_wait3A_133 = arith.constant 1 : i32
      %dma_wait3A_134 = arith.constant 0 : i32
      %dma_wait3A_135 = arith.constant 0 : i32
      %dma_wait3A_136 = tpu.memref_slice %arg9[%dma_wait3A_133, %dma_wait3A_134, %dma_wait3A_135] : memref<8x125x32xf32, #tpu.memory_space<vmem>> -> memref<1x125x32xf32, #tpu.memory_space<vmem>>
      %dma_wait3A_137 = tpu.memref_squeeze %dma_wait3A_136 : memref<1x125x32xf32, #tpu.memory_space<vmem>> -> memref<125x32xf32, #tpu.memory_space<vmem>>
      %dma_wait3A_138 = arith.constant 0 : i32
      %dma_wait3A_139 = tpu.memref_slice %arg7[%add3A_132, %dma_wait3A_138] : memref<80x125xi32, #tpu.memory_space<vmem>> -> memref<1x125xi32, #tpu.memory_space<vmem>>
      %dma_wait3A_140 = tpu.memref_squeeze %dma_wait3A_139 : memref<1x125xi32, #tpu.memory_space<vmem>> -> memref<125xi32, #tpu.memory_space<vmem>>
      %dma_wait3A_141 = arith.constant 0 : i32
      %dma_wait3A_142 = arith.constant 0 : i32
      %dma_wait3A_143 = tpu.memref_slice %arg2[%dma_wait3A_141, %dma_wait3A_142] : memref<10000x32xf32, #tpu.memory_space<hbm>> -> memref<10000x32xf32, #tpu.memory_space<hbm>>
      tpu.wait_indirect_dma semaphore(%arg12 : memref<!tpu.dma_semaphore, #tpu.memory_space<semaphore_mem>>) src(%dma_wait3A_143 : memref<10000x32xf32, #tpu.memory_space<hbm>>) dst(%dma_wait3A_137 : memref<125x32xf32, #tpu.memory_space<vmem>>)
      %run_scoped3A_144 = arith.constant 1 : i32
      "tpu.region"() ({
        %run_scoped3A_290 = tpu.sem_alloc : memref<!tpu.dma_semaphore, #tpu.memory_space<semaphore_mem>>
        %dma_start3A_291 = arith.constant 0 : i32
        %dma_start3A_292 = arith.constant 0 : i32
        %dma_start3A_293 = tpu.memref_slice %arg9[%run_scoped3A_144, %dma_start3A_291, %dma_start3A_292] : memref<8x125x32xf32, #tpu.memory_space<vmem>> -> memref<1x125x32xf32, #tpu.memory_space<vmem>>
        %dma_start3A_294 = tpu.memref_squeeze %dma_start3A_293 : memref<1x125x32xf32, #tpu.memory_space<vmem>> -> memref<125x32xf32, #tpu.memory_space<vmem>>
        %dma_start3A_295 = arith.constant 0 : i32
        %dma_start3A_296 = tpu.memref_slice %arg8[%add3A_132, %dma_start3A_295] : memref<80x125xi32, #tpu.memory_space<vmem>> -> memref<1x125xi32, #tpu.memory_space<vmem>>
        %dma_start3A_297 = tpu.memref_squeeze %dma_start3A_296 : memref<1x125xi32, #tpu.memory_space<vmem>> -> memref<125xi32, #tpu.memory_space<vmem>>
        %dma_start3A_298 = arith.constant 0 : i32
        %dma_start3A_299 = arith.constant 0 : i32
        %dma_start3A_300 = tpu.memref_slice %arg10[%dma_start3A_298, %dma_start3A_299] : memref<10240x32xf32, #tpu.memory_space<vmem_shared>> -> memref<10240x32xf32, #tpu.memory_space<vmem_shared>>
        tpu.enqueue_indirect_dma source(%dma_start3A_294 : memref<125x32xf32, #tpu.memory_space<vmem>>) target(%dma_start3A_300 : memref<10240x32xf32, #tpu.memory_space<vmem_shared>>) offsets(%dma_start3A_297 : memref<125xi32, #tpu.memory_space<vmem>>) semaphore(%run_scoped3A_290 : memref<!tpu.dma_semaphore, #tpu.memory_space<semaphore_mem>>) {add = true}
        %dma_wait3A_301 = arith.constant 0 : i32
        %dma_wait3A_302 = arith.constant 0 : i32
        %dma_wait3A_303 = tpu.memref_slice %arg9[%run_scoped3A_144, %dma_wait3A_301, %dma_wait3A_302] : memref<8x125x32xf32, #tpu.memory_space<vmem>> -> memref<1x125x32xf32, #tpu.memory_space<vmem>>
        %dma_wait3A_304 = tpu.memref_squeeze %dma_wait3A_303 : memref<1x125x32xf32, #tpu.memory_space<vmem>> -> memref<125x32xf32, #tpu.memory_space<vmem>>
        %dma_wait3A_305 = arith.constant 0 : i32
        %dma_wait3A_306 = tpu.memref_slice %arg8[%add3A_132, %dma_wait3A_305] : memref<80x125xi32, #tpu.memory_space<vmem>> -> memref<1x125xi32, #tpu.memory_space<vmem>>
        %dma_wait3A_307 = tpu.memref_squeeze %dma_wait3A_306 : memref<1x125xi32, #tpu.memory_space<vmem>> -> memref<125xi32, #tpu.memory_space<vmem>>
        %dma_wait3A_308 = arith.constant 0 : i32
        %dma_wait3A_309 = arith.constant 0 : i32
        %dma_wait3A_310 = tpu.memref_slice %arg10[%dma_wait3A_308, %dma_wait3A_309] : memref<10240x32xf32, #tpu.memory_space<vmem_shared>> -> memref<10240x32xf32, #tpu.memory_space<vmem_shared>>
        tpu.wait_indirect_dma semaphore(%run_scoped3A_290 : memref<!tpu.dma_semaphore, #tpu.memory_space<semaphore_mem>>) src(%dma_wait3A_304 : memref<125x32xf32, #tpu.memory_space<vmem>>) dst(%dma_wait3A_310 : memref<10240x32xf32, #tpu.memory_space<vmem_shared>>)
        tpu.yield
      }) : () -> ()
      %add3A_145 = arith.constant 8 : i32
      %add3A_146 = arith.addi %add3A_132, %add3A_145 : i32
      %lt3A_147 = arith.constant 80 : i32
      %lt3A_148 = arith.cmpi slt, %add3A_146, %lt3A_147 : i32
      %convert_element_type3A_149 = arith.extui %lt3A_148 : i1 to i32
      %cond3A_150 = arith.constant 0 : i32
      %cond3A_151 = arith.cmpi ne, %convert_element_type3A_149, %cond3A_150 : i32
      scf.if %cond3A_151 {
        %add3A_290 = arith.constant 8 : i32
        %add3A_291 = arith.addi %add3A_132, %add3A_290 : i32
        %dma_start3A_292 = arith.constant 1 : i32
        %dma_start3A_293 = arith.constant 0 : i32
        %dma_start3A_294 = arith.constant 0 : i32
        %dma_start3A_295 = tpu.memref_slice %arg9[%dma_start3A_292, %dma_start3A_293, %dma_start3A_294] : memref<8x125x32xf32, #tpu.memory_space<vmem>> -> memref<1x125x32xf32, #tpu.memory_space<vmem>>
        %dma_start3A_296 = tpu.memref_squeeze %dma_start3A_295 : memref<1x125x32xf32, #tpu.memory_space<vmem>> -> memref<125x32xf32, #tpu.memory_space<vmem>>
        %dma_start3A_297 = arith.constant 0 : i32
        %dma_start3A_298 = tpu.memref_slice %arg7[%add3A_291, %dma_start3A_297] : memref<80x125xi32, #tpu.memory_space<vmem>> -> memref<1x125xi32, #tpu.memory_space<vmem>>
        %dma_start3A_299 = tpu.memref_squeeze %dma_start3A_298 : memref<1x125xi32, #tpu.memory_space<vmem>> -> memref<125xi32, #tpu.memory_space<vmem>>
        %dma_start3A_300 = arith.constant 0 : i32
        %dma_start3A_301 = arith.constant 0 : i32
        %dma_start3A_302 = tpu.memref_slice %arg2[%dma_start3A_300, %dma_start3A_301] : memref<10000x32xf32, #tpu.memory_space<hbm>> -> memref<10000x32xf32, #tpu.memory_space<hbm>>
        tpu.enqueue_indirect_dma source(%dma_start3A_302 : memref<10000x32xf32, #tpu.memory_space<hbm>>) target(%dma_start3A_296 : memref<125x32xf32, #tpu.memory_space<vmem>>) offsets(%dma_start3A_299 : memref<125xi32, #tpu.memory_space<vmem>>) semaphore(%arg12 : memref<!tpu.dma_semaphore, #tpu.memory_space<semaphore_mem>>)
      } else {
      }
      %mul3A_152 = arith.constant 8 : i32
      %mul3A_153 = arith.muli %scan3A_110, %mul3A_152 : i32
      %add3A_154 = arith.constant 2 : i32
      %add3A_155 = arith.addi %mul3A_153, %add3A_154 : i32
      %dma_wait3A_156 = arith.constant 2 : i32
      %dma_wait3A_157 = arith.constant 0 : i32
      %dma_wait3A_158 = arith.constant 0 : i32
      %dma_wait3A_159 = tpu.memref_slice %arg9[%dma_wait3A_156, %dma_wait3A_157, %dma_wait3A_158] : memref<8x125x32xf32, #tpu.memory_space<vmem>> -> memref<1x125x32xf32, #tpu.memory_space<vmem>>
      %dma_wait3A_160 = tpu.memref_squeeze %dma_wait3A_159 : memref<1x125x32xf32, #tpu.memory_space<vmem>> -> memref<125x32xf32, #tpu.memory_space<vmem>>
      %dma_wait3A_161 = arith.constant 0 : i32
      %dma_wait3A_162 = tpu.memref_slice %arg7[%add3A_155, %dma_wait3A_161] : memref<80x125xi32, #tpu.memory_space<vmem>> -> memref<1x125xi32, #tpu.memory_space<vmem>>
      %dma_wait3A_163 = tpu.memref_squeeze %dma_wait3A_162 : memref<1x125xi32, #tpu.memory_space<vmem>> -> memref<125xi32, #tpu.memory_space<vmem>>
      %dma_wait3A_164 = arith.constant 0 : i32
      %dma_wait3A_165 = arith.constant 0 : i32
      %dma_wait3A_166 = tpu.memref_slice %arg2[%dma_wait3A_164, %dma_wait3A_165] : memref<10000x32xf32, #tpu.memory_space<hbm>> -> memref<10000x32xf32, #tpu.memory_space<hbm>>
      tpu.wait_indirect_dma semaphore(%arg13 : memref<!tpu.dma_semaphore, #tpu.memory_space<semaphore_mem>>) src(%dma_wait3A_166 : memref<10000x32xf32, #tpu.memory_space<hbm>>) dst(%dma_wait3A_160 : memref<125x32xf32, #tpu.memory_space<vmem>>)
      %run_scoped3A_167 = arith.constant 2 : i32
      "tpu.region"() ({
        %run_scoped3A_290 = tpu.sem_alloc : memref<!tpu.dma_semaphore, #tpu.memory_space<semaphore_mem>>
        %dma_start3A_291 = arith.constant 0 : i32
        %dma_start3A_292 = arith.constant 0 : i32
        %dma_start3A_293 = tpu.memref_slice %arg9[%run_scoped3A_167, %dma_start3A_291, %dma_start3A_292] : memref<8x125x32xf32, #tpu.memory_space<vmem>> -> memref<1x125x32xf32, #tpu.memory_space<vmem>>
        %dma_start3A_294 = tpu.memref_squeeze %dma_start3A_293 : memref<1x125x32xf32, #tpu.memory_space<vmem>> -> memref<125x32xf32, #tpu.memory_space<vmem>>
        %dma_start3A_295 = arith.constant 0 : i32
        %dma_start3A_296 = tpu.memref_slice %arg8[%add3A_155, %dma_start3A_295] : memref<80x125xi32, #tpu.memory_space<vmem>> -> memref<1x125xi32, #tpu.memory_space<vmem>>
        %dma_start3A_297 = tpu.memref_squeeze %dma_start3A_296 : memref<1x125xi32, #tpu.memory_space<vmem>> -> memref<125xi32, #tpu.memory_space<vmem>>
        %dma_start3A_298 = arith.constant 0 : i32
        %dma_start3A_299 = arith.constant 0 : i32
        %dma_start3A_300 = tpu.memref_slice %arg10[%dma_start3A_298, %dma_start3A_299] : memref<10240x32xf32, #tpu.memory_space<vmem_shared>> -> memref<10240x32xf32, #tpu.memory_space<vmem_shared>>
        tpu.enqueue_indirect_dma source(%dma_start3A_294 : memref<125x32xf32, #tpu.memory_space<vmem>>) target(%dma_start3A_300 : memref<10240x32xf32, #tpu.memory_space<vmem_shared>>) offsets(%dma_start3A_297 : memref<125xi32, #tpu.memory_space<vmem>>) semaphore(%run_scoped3A_290 : memref<!tpu.dma_semaphore, #tpu.memory_space<semaphore_mem>>) {add = true}
        %dma_wait3A_301 = arith.constant 0 : i32
        %dma_wait3A_302 = arith.constant 0 : i32
        %dma_wait3A_303 = tpu.memref_slice %arg9[%run_scoped3A_167, %dma_wait3A_301, %dma_wait3A_302] : memref<8x125x32xf32, #tpu.memory_space<vmem>> -> memref<1x125x32xf32, #tpu.memory_space<vmem>>
        %dma_wait3A_304 = tpu.memref_squeeze %dma_wait3A_303 : memref<1x125x32xf32, #tpu.memory_space<vmem>> -> memref<125x32xf32, #tpu.memory_space<vmem>>
        %dma_wait3A_305 = arith.constant 0 : i32
        %dma_wait3A_306 = tpu.memref_slice %arg8[%add3A_155, %dma_wait3A_305] : memref<80x125xi32, #tpu.memory_space<vmem>> -> memref<1x125xi32, #tpu.memory_space<vmem>>
        %dma_wait3A_307 = tpu.memref_squeeze %dma_wait3A_306 : memref<1x125xi32, #tpu.memory_space<vmem>> -> memref<125xi32, #tpu.memory_space<vmem>>
        %dma_wait3A_308 = arith.constant 0 : i32
        %dma_wait3A_309 = arith.constant 0 : i32
        %dma_wait3A_310 = tpu.memref_slice %arg10[%dma_wait3A_308, %dma_wait3A_309] : memref<10240x32xf32, #tpu.memory_space<vmem_shared>> -> memref<10240x32xf32, #tpu.memory_space<vmem_shared>>
        tpu.wait_indirect_dma semaphore(%run_scoped3A_290 : memref<!tpu.dma_semaphore, #tpu.memory_space<semaphore_mem>>) src(%dma_wait3A_304 : memref<125x32xf32, #tpu.memory_space<vmem>>) dst(%dma_wait3A_310 : memref<10240x32xf32, #tpu.memory_space<vmem_shared>>)
        tpu.yield
      }) : () -> ()
      %add3A_168 = arith.constant 8 : i32
      %add3A_169 = arith.addi %add3A_155, %add3A_168 : i32
      %lt3A_170 = arith.constant 80 : i32
      %lt3A_171 = arith.cmpi slt, %add3A_169, %lt3A_170 : i32
      %convert_element_type3A_172 = arith.extui %lt3A_171 : i1 to i32
      %cond3A_173 = arith.constant 0 : i32
      %cond3A_174 = arith.cmpi ne, %convert_element_type3A_172, %cond3A_173 : i32
      scf.if %cond3A_174 {
        %add3A_290 = arith.constant 8 : i32
        %add3A_291 = arith.addi %add3A_155, %add3A_290 : i32
        %dma_start3A_292 = arith.constant 2 : i32
        %dma_start3A_293 = arith.constant 0 : i32
        %dma_start3A_294 = arith.constant 0 : i32
        %dma_start3A_295 = tpu.memref_slice %arg9[%dma_start3A_292, %dma_start3A_293, %dma_start3A_294] : memref<8x125x32xf32, #tpu.memory_space<vmem>> -> memref<1x125x32xf32, #tpu.memory_space<vmem>>
        %dma_start3A_296 = tpu.memref_squeeze %dma_start3A_295 : memref<1x125x32xf32, #tpu.memory_space<vmem>> -> memref<125x32xf32, #tpu.memory_space<vmem>>
        %dma_start3A_297 = arith.constant 0 : i32
        %dma_start3A_298 = tpu.memref_slice %arg7[%add3A_291, %dma_start3A_297] : memref<80x125xi32, #tpu.memory_space<vmem>> -> memref<1x125xi32, #tpu.memory_space<vmem>>
        %dma_start3A_299 = tpu.memref_squeeze %dma_start3A_298 : memref<1x125xi32, #tpu.memory_space<vmem>> -> memref<125xi32, #tpu.memory_space<vmem>>
        %dma_start3A_300 = arith.constant 0 : i32
        %dma_start3A_301 = arith.constant 0 : i32
        %dma_start3A_302 = tpu.memref_slice %arg2[%dma_start3A_300, %dma_start3A_301] : memref<10000x32xf32, #tpu.memory_space<hbm>> -> memref<10000x32xf32, #tpu.memory_space<hbm>>
        tpu.enqueue_indirect_dma source(%dma_start3A_302 : memref<10000x32xf32, #tpu.memory_space<hbm>>) target(%dma_start3A_296 : memref<125x32xf32, #tpu.memory_space<vmem>>) offsets(%dma_start3A_299 : memref<125xi32, #tpu.memory_space<vmem>>) semaphore(%arg13 : memref<!tpu.dma_semaphore, #tpu.memory_space<semaphore_mem>>)
      } else {
      }
      %mul3A_175 = arith.constant 8 : i32
      %mul3A_176 = arith.muli %scan3A_110, %mul3A_175 : i32
      %add3A_177 = arith.constant 3 : i32
      %add3A_178 = arith.addi %mul3A_176, %add3A_177 : i32
      %dma_wait3A_179 = arith.constant 3 : i32
      %dma_wait3A_180 = arith.constant 0 : i32
      %dma_wait3A_181 = arith.constant 0 : i32
      %dma_wait3A_182 = tpu.memref_slice %arg9[%dma_wait3A_179, %dma_wait3A_180, %dma_wait3A_181] : memref<8x125x32xf32, #tpu.memory_space<vmem>> -> memref<1x125x32xf32, #tpu.memory_space<vmem>>
      %dma_wait3A_183 = tpu.memref_squeeze %dma_wait3A_182 : memref<1x125x32xf32, #tpu.memory_space<vmem>> -> memref<125x32xf32, #tpu.memory_space<vmem>>
      %dma_wait3A_184 = arith.constant 0 : i32
      %dma_wait3A_185 = tpu.memref_slice %arg7[%add3A_178, %dma_wait3A_184] : memref<80x125xi32, #tpu.memory_space<vmem>> -> memref<1x125xi32, #tpu.memory_space<vmem>>
      %dma_wait3A_186 = tpu.memref_squeeze %dma_wait3A_185 : memref<1x125xi32, #tpu.memory_space<vmem>> -> memref<125xi32, #tpu.memory_space<vmem>>
      %dma_wait3A_187 = arith.constant 0 : i32
      %dma_wait3A_188 = arith.constant 0 : i32
      %dma_wait3A_189 = tpu.memref_slice %arg2[%dma_wait3A_187, %dma_wait3A_188] : memref<10000x32xf32, #tpu.memory_space<hbm>> -> memref<10000x32xf32, #tpu.memory_space<hbm>>
      tpu.wait_indirect_dma semaphore(%arg14 : memref<!tpu.dma_semaphore, #tpu.memory_space<semaphore_mem>>) src(%dma_wait3A_189 : memref<10000x32xf32, #tpu.memory_space<hbm>>) dst(%dma_wait3A_183 : memref<125x32xf32, #tpu.memory_space<vmem>>)
      %run_scoped3A_190 = arith.constant 3 : i32
      "tpu.region"() ({
        %run_scoped3A_290 = tpu.sem_alloc : memref<!tpu.dma_semaphore, #tpu.memory_space<semaphore_mem>>
        %dma_start3A_291 = arith.constant 0 : i32
        %dma_start3A_292 = arith.constant 0 : i32
        %dma_start3A_293 = tpu.memref_slice %arg9[%run_scoped3A_190, %dma_start3A_291, %dma_start3A_292] : memref<8x125x32xf32, #tpu.memory_space<vmem>> -> memref<1x125x32xf32, #tpu.memory_space<vmem>>
        %dma_start3A_294 = tpu.memref_squeeze %dma_start3A_293 : memref<1x125x32xf32, #tpu.memory_space<vmem>> -> memref<125x32xf32, #tpu.memory_space<vmem>>
        %dma_start3A_295 = arith.constant 0 : i32
        %dma_start3A_296 = tpu.memref_slice %arg8[%add3A_178, %dma_start3A_295] : memref<80x125xi32, #tpu.memory_space<vmem>> -> memref<1x125xi32, #tpu.memory_space<vmem>>
        %dma_start3A_297 = tpu.memref_squeeze %dma_start3A_296 : memref<1x125xi32, #tpu.memory_space<vmem>> -> memref<125xi32, #tpu.memory_space<vmem>>
        %dma_start3A_298 = arith.constant 0 : i32
        %dma_start3A_299 = arith.constant 0 : i32
        %dma_start3A_300 = tpu.memref_slice %arg10[%dma_start3A_298, %dma_start3A_299] : memref<10240x32xf32, #tpu.memory_space<vmem_shared>> -> memref<10240x32xf32, #tpu.memory_space<vmem_shared>>
        tpu.enqueue_indirect_dma source(%dma_start3A_294 : memref<125x32xf32, #tpu.memory_space<vmem>>) target(%dma_start3A_300 : memref<10240x32xf32, #tpu.memory_space<vmem_shared>>) offsets(%dma_start3A_297 : memref<125xi32, #tpu.memory_space<vmem>>) semaphore(%run_scoped3A_290 : memref<!tpu.dma_semaphore, #tpu.memory_space<semaphore_mem>>) {add = true}
        %dma_wait3A_301 = arith.constant 0 : i32
        %dma_wait3A_302 = arith.constant 0 : i32
        %dma_wait3A_303 = tpu.memref_slice %arg9[%run_scoped3A_190, %dma_wait3A_301, %dma_wait3A_302] : memref<8x125x32xf32, #tpu.memory_space<vmem>> -> memref<1x125x32xf32, #tpu.memory_space<vmem>>
        %dma_wait3A_304 = tpu.memref_squeeze %dma_wait3A_303 : memref<1x125x32xf32, #tpu.memory_space<vmem>> -> memref<125x32xf32, #tpu.memory_space<vmem>>
        %dma_wait3A_305 = arith.constant 0 : i32
        %dma_wait3A_306 = tpu.memref_slice %arg8[%add3A_178, %dma_wait3A_305] : memref<80x125xi32, #tpu.memory_space<vmem>> -> memref<1x125xi32, #tpu.memory_space<vmem>>
        %dma_wait3A_307 = tpu.memref_squeeze %dma_wait3A_306 : memref<1x125xi32, #tpu.memory_space<vmem>> -> memref<125xi32, #tpu.memory_space<vmem>>
        %dma_wait3A_308 = arith.constant 0 : i32
        %dma_wait3A_309 = arith.constant 0 : i32
        %dma_wait3A_310 = tpu.memref_slice %arg10[%dma_wait3A_308, %dma_wait3A_309] : memref<10240x32xf32, #tpu.memory_space<vmem_shared>> -> memref<10240x32xf32, #tpu.memory_space<vmem_shared>>
        tpu.wait_indirect_dma semaphore(%run_scoped3A_290 : memref<!tpu.dma_semaphore, #tpu.memory_space<semaphore_mem>>) src(%dma_wait3A_304 : memref<125x32xf32, #tpu.memory_space<vmem>>) dst(%dma_wait3A_310 : memref<10240x32xf32, #tpu.memory_space<vmem_shared>>)
        tpu.yield
      }) : () -> ()
      %add3A_191 = arith.constant 8 : i32
      %add3A_192 = arith.addi %add3A_178, %add3A_191 : i32
      %lt3A_193 = arith.constant 80 : i32
      %lt3A_194 = arith.cmpi slt, %add3A_192, %lt3A_193 : i32
      %convert_element_type3A_195 = arith.extui %lt3A_194 : i1 to i32
      %cond3A_196 = arith.constant 0 : i32
      %cond3A_197 = arith.cmpi ne, %convert_element_type3A_195, %cond3A_196 : i32
      scf.if %cond3A_197 {
        %add3A_290 = arith.constant 8 : i32
        %add3A_291 = arith.addi %add3A_178, %add3A_290 : i32
        %dma_start3A_292 = arith.constant 3 : i32
        %dma_start3A_293 = arith.constant 0 : i32
        %dma_start3A_294 = arith.constant 0 : i32
        %dma_start3A_295 = tpu.memref_slice %arg9[%dma_start3A_292, %dma_start3A_293, %dma_start3A_294] : memref<8x125x32xf32, #tpu.memory_space<vmem>> -> memref<1x125x32xf32, #tpu.memory_space<vmem>>
        %dma_start3A_296 = tpu.memref_squeeze %dma_start3A_295 : memref<1x125x32xf32, #tpu.memory_space<vmem>> -> memref<125x32xf32, #tpu.memory_space<vmem>>
        %dma_start3A_297 = arith.constant 0 : i32
        %dma_start3A_298 = tpu.memref_slice %arg7[%add3A_291, %dma_start3A_297] : memref<80x125xi32, #tpu.memory_space<vmem>> -> memref<1x125xi32, #tpu.memory_space<vmem>>
        %dma_start3A_299 = tpu.memref_squeeze %dma_start3A_298 : memref<1x125xi32, #tpu.memory_space<vmem>> -> memref<125xi32, #tpu.memory_space<vmem>>
        %dma_start3A_300 = arith.constant 0 : i32
        %dma_start3A_301 = arith.constant 0 : i32
        %dma_start3A_302 = tpu.memref_slice %arg2[%dma_start3A_300, %dma_start3A_301] : memref<10000x32xf32, #tpu.memory_space<hbm>> -> memref<10000x32xf32, #tpu.memory_space<hbm>>
        tpu.enqueue_indirect_dma source(%dma_start3A_302 : memref<10000x32xf32, #tpu.memory_space<hbm>>) target(%dma_start3A_296 : memref<125x32xf32, #tpu.memory_space<vmem>>) offsets(%dma_start3A_299 : memref<125xi32, #tpu.memory_space<vmem>>) semaphore(%arg14 : memref<!tpu.dma_semaphore, #tpu.memory_space<semaphore_mem>>)
      } else {
      }
      %mul3A_198 = arith.constant 8 : i32
      %mul3A_199 = arith.muli %scan3A_110, %mul3A_198 : i32
      %add3A_200 = arith.constant 4 : i32
      %add3A_201 = arith.addi %mul3A_199, %add3A_200 : i32
      %dma_wait3A_202 = arith.constant 4 : i32
      %dma_wait3A_203 = arith.constant 0 : i32
      %dma_wait3A_204 = arith.constant 0 : i32
      %dma_wait3A_205 = tpu.memref_slice %arg9[%dma_wait3A_202, %dma_wait3A_203, %dma_wait3A_204] : memref<8x125x32xf32, #tpu.memory_space<vmem>> -> memref<1x125x32xf32, #tpu.memory_space<vmem>>
      %dma_wait3A_206 = tpu.memref_squeeze %dma_wait3A_205 : memref<1x125x32xf32, #tpu.memory_space<vmem>> -> memref<125x32xf32, #tpu.memory_space<vmem>>
      %dma_wait3A_207 = arith.constant 0 : i32
      %dma_wait3A_208 = tpu.memref_slice %arg7[%add3A_201, %dma_wait3A_207] : memref<80x125xi32, #tpu.memory_space<vmem>> -> memref<1x125xi32, #tpu.memory_space<vmem>>
      %dma_wait3A_209 = tpu.memref_squeeze %dma_wait3A_208 : memref<1x125xi32, #tpu.memory_space<vmem>> -> memref<125xi32, #tpu.memory_space<vmem>>
      %dma_wait3A_210 = arith.constant 0 : i32
      %dma_wait3A_211 = arith.constant 0 : i32
      %dma_wait3A_212 = tpu.memref_slice %arg2[%dma_wait3A_210, %dma_wait3A_211] : memref<10000x32xf32, #tpu.memory_space<hbm>> -> memref<10000x32xf32, #tpu.memory_space<hbm>>
      tpu.wait_indirect_dma semaphore(%arg15 : memref<!tpu.dma_semaphore, #tpu.memory_space<semaphore_mem>>) src(%dma_wait3A_212 : memref<10000x32xf32, #tpu.memory_space<hbm>>) dst(%dma_wait3A_206 : memref<125x32xf32, #tpu.memory_space<vmem>>)
      %run_scoped3A_213 = arith.constant 4 : i32
      "tpu.region"() ({
        %run_scoped3A_290 = tpu.sem_alloc : memref<!tpu.dma_semaphore, #tpu.memory_space<semaphore_mem>>
        %dma_start3A_291 = arith.constant 0 : i32
        %dma_start3A_292 = arith.constant 0 : i32
        %dma_start3A_293 = tpu.memref_slice %arg9[%run_scoped3A_213, %dma_start3A_291, %dma_start3A_292] : memref<8x125x32xf32, #tpu.memory_space<vmem>> -> memref<1x125x32xf32, #tpu.memory_space<vmem>>
        %dma_start3A_294 = tpu.memref_squeeze %dma_start3A_293 : memref<1x125x32xf32, #tpu.memory_space<vmem>> -> memref<125x32xf32, #tpu.memory_space<vmem>>
        %dma_start3A_295 = arith.constant 0 : i32
        %dma_start3A_296 = tpu.memref_slice %arg8[%add3A_201, %dma_start3A_295] : memref<80x125xi32, #tpu.memory_space<vmem>> -> memref<1x125xi32, #tpu.memory_space<vmem>>
        %dma_start3A_297 = tpu.memref_squeeze %dma_start3A_296 : memref<1x125xi32, #tpu.memory_space<vmem>> -> memref<125xi32, #tpu.memory_space<vmem>>
        %dma_start3A_298 = arith.constant 0 : i32
        %dma_start3A_299 = arith.constant 0 : i32
        %dma_start3A_300 = tpu.memref_slice %arg10[%dma_start3A_298, %dma_start3A_299] : memref<10240x32xf32, #tpu.memory_space<vmem_shared>> -> memref<10240x32xf32, #tpu.memory_space<vmem_shared>>
        tpu.enqueue_indirect_dma source(%dma_start3A_294 : memref<125x32xf32, #tpu.memory_space<vmem>>) target(%dma_start3A_300 : memref<10240x32xf32, #tpu.memory_space<vmem_shared>>) offsets(%dma_start3A_297 : memref<125xi32, #tpu.memory_space<vmem>>) semaphore(%run_scoped3A_290 : memref<!tpu.dma_semaphore, #tpu.memory_space<semaphore_mem>>) {add = true}
        %dma_wait3A_301 = arith.constant 0 : i32
        %dma_wait3A_302 = arith.constant 0 : i32
        %dma_wait3A_303 = tpu.memref_slice %arg9[%run_scoped3A_213, %dma_wait3A_301, %dma_wait3A_302] : memref<8x125x32xf32, #tpu.memory_space<vmem>> -> memref<1x125x32xf32, #tpu.memory_space<vmem>>
        %dma_wait3A_304 = tpu.memref_squeeze %dma_wait3A_303 : memref<1x125x32xf32, #tpu.memory_space<vmem>> -> memref<125x32xf32, #tpu.memory_space<vmem>>
        %dma_wait3A_305 = arith.constant 0 : i32
        %dma_wait3A_306 = tpu.memref_slice %arg8[%add3A_201, %dma_wait3A_305] : memref<80x125xi32, #tpu.memory_space<vmem>> -> memref<1x125xi32, #tpu.memory_space<vmem>>
        %dma_wait3A_307 = tpu.memref_squeeze %dma_wait3A_306 : memref<1x125xi32, #tpu.memory_space<vmem>> -> memref<125xi32, #tpu.memory_space<vmem>>
        %dma_wait3A_308 = arith.constant 0 : i32
        %dma_wait3A_309 = arith.constant 0 : i32
        %dma_wait3A_310 = tpu.memref_slice %arg10[%dma_wait3A_308, %dma_wait3A_309] : memref<10240x32xf32, #tpu.memory_space<vmem_shared>> -> memref<10240x32xf32, #tpu.memory_space<vmem_shared>>
        tpu.wait_indirect_dma semaphore(%run_scoped3A_290 : memref<!tpu.dma_semaphore, #tpu.memory_space<semaphore_mem>>) src(%dma_wait3A_304 : memref<125x32xf32, #tpu.memory_space<vmem>>) dst(%dma_wait3A_310 : memref<10240x32xf32, #tpu.memory_space<vmem_shared>>)
        tpu.yield
      }) : () -> ()
      %add3A_214 = arith.constant 8 : i32
      %add3A_215 = arith.addi %add3A_201, %add3A_214 : i32
      %lt3A_216 = arith.constant 80 : i32
      %lt3A_217 = arith.cmpi slt, %add3A_215, %lt3A_216 : i32
      %convert_element_type3A_218 = arith.extui %lt3A_217 : i1 to i32
      %cond3A_219 = arith.constant 0 : i32
      %cond3A_220 = arith.cmpi ne, %convert_element_type3A_218, %cond3A_219 : i32
      scf.if %cond3A_220 {
        %add3A_290 = arith.constant 8 : i32
        %add3A_291 = arith.addi %add3A_201, %add3A_290 : i32
        %dma_start3A_292 = arith.constant 4 : i32
        %dma_start3A_293 = arith.constant 0 : i32
        %dma_start3A_294 = arith.constant 0 : i32
        %dma_start3A_295 = tpu.memref_slice %arg9[%dma_start3A_292, %dma_start3A_293, %dma_start3A_294] : memref<8x125x32xf32, #tpu.memory_space<vmem>> -> memref<1x125x32xf32, #tpu.memory_space<vmem>>
        %dma_start3A_296 = tpu.memref_squeeze %dma_start3A_295 : memref<1x125x32xf32, #tpu.memory_space<vmem>> -> memref<125x32xf32, #tpu.memory_space<vmem>>
        %dma_start3A_297 = arith.constant 0 : i32
        %dma_start3A_298 = tpu.memref_slice %arg7[%add3A_291, %dma_start3A_297] : memref<80x125xi32, #tpu.memory_space<vmem>> -> memref<1x125xi32, #tpu.memory_space<vmem>>
        %dma_start3A_299 = tpu.memref_squeeze %dma_start3A_298 : memref<1x125xi32, #tpu.memory_space<vmem>> -> memref<125xi32, #tpu.memory_space<vmem>>
        %dma_start3A_300 = arith.constant 0 : i32
        %dma_start3A_301 = arith.constant 0 : i32
        %dma_start3A_302 = tpu.memref_slice %arg2[%dma_start3A_300, %dma_start3A_301] : memref<10000x32xf32, #tpu.memory_space<hbm>> -> memref<10000x32xf32, #tpu.memory_space<hbm>>
        tpu.enqueue_indirect_dma source(%dma_start3A_302 : memref<10000x32xf32, #tpu.memory_space<hbm>>) target(%dma_start3A_296 : memref<125x32xf32, #tpu.memory_space<vmem>>) offsets(%dma_start3A_299 : memref<125xi32, #tpu.memory_space<vmem>>) semaphore(%arg15 : memref<!tpu.dma_semaphore, #tpu.memory_space<semaphore_mem>>)
      } else {
      }
      %mul3A_221 = arith.constant 8 : i32
      %mul3A_222 = arith.muli %scan3A_110, %mul3A_221 : i32
      %add3A_223 = arith.constant 5 : i32
      %add3A_224 = arith.addi %mul3A_222, %add3A_223 : i32
      %dma_wait3A_225 = arith.constant 5 : i32
      %dma_wait3A_226 = arith.constant 0 : i32
      %dma_wait3A_227 = arith.constant 0 : i32
      %dma_wait3A_228 = tpu.memref_slice %arg9[%dma_wait3A_225, %dma_wait3A_226, %dma_wait3A_227] : memref<8x125x32xf32, #tpu.memory_space<vmem>> -> memref<1x125x32xf32, #tpu.memory_space<vmem>>
      %dma_wait3A_229 = tpu.memref_squeeze %dma_wait3A_228 : memref<1x125x32xf32, #tpu.memory_space<vmem>> -> memref<125x32xf32, #tpu.memory_space<vmem>>
      %dma_wait3A_230 = arith.constant 0 : i32
      %dma_wait3A_231 = tpu.memref_slice %arg7[%add3A_224, %dma_wait3A_230] : memref<80x125xi32, #tpu.memory_space<vmem>> -> memref<1x125xi32, #tpu.memory_space<vmem>>
      %dma_wait3A_232 = tpu.memref_squeeze %dma_wait3A_231 : memref<1x125xi32, #tpu.memory_space<vmem>> -> memref<125xi32, #tpu.memory_space<vmem>>
      %dma_wait3A_233 = arith.constant 0 : i32
      %dma_wait3A_234 = arith.constant 0 : i32
      %dma_wait3A_235 = tpu.memref_slice %arg2[%dma_wait3A_233, %dma_wait3A_234] : memref<10000x32xf32, #tpu.memory_space<hbm>> -> memref<10000x32xf32, #tpu.memory_space<hbm>>
      tpu.wait_indirect_dma semaphore(%arg16 : memref<!tpu.dma_semaphore, #tpu.memory_space<semaphore_mem>>) src(%dma_wait3A_235 : memref<10000x32xf32, #tpu.memory_space<hbm>>) dst(%dma_wait3A_229 : memref<125x32xf32, #tpu.memory_space<vmem>>)
      %run_scoped3A_236 = arith.constant 5 : i32
      "tpu.region"() ({
        %run_scoped3A_290 = tpu.sem_alloc : memref<!tpu.dma_semaphore, #tpu.memory_space<semaphore_mem>>
        %dma_start3A_291 = arith.constant 0 : i32
        %dma_start3A_292 = arith.constant 0 : i32
        %dma_start3A_293 = tpu.memref_slice %arg9[%run_scoped3A_236, %dma_start3A_291, %dma_start3A_292] : memref<8x125x32xf32, #tpu.memory_space<vmem>> -> memref<1x125x32xf32, #tpu.memory_space<vmem>>
        %dma_start3A_294 = tpu.memref_squeeze %dma_start3A_293 : memref<1x125x32xf32, #tpu.memory_space<vmem>> -> memref<125x32xf32, #tpu.memory_space<vmem>>
        %dma_start3A_295 = arith.constant 0 : i32
        %dma_start3A_296 = tpu.memref_slice %arg8[%add3A_224, %dma_start3A_295] : memref<80x125xi32, #tpu.memory_space<vmem>> -> memref<1x125xi32, #tpu.memory_space<vmem>>
        %dma_start3A_297 = tpu.memref_squeeze %dma_start3A_296 : memref<1x125xi32, #tpu.memory_space<vmem>> -> memref<125xi32, #tpu.memory_space<vmem>>
        %dma_start3A_298 = arith.constant 0 : i32
        %dma_start3A_299 = arith.constant 0 : i32
        %dma_start3A_300 = tpu.memref_slice %arg10[%dma_start3A_298, %dma_start3A_299] : memref<10240x32xf32, #tpu.memory_space<vmem_shared>> -> memref<10240x32xf32, #tpu.memory_space<vmem_shared>>
        tpu.enqueue_indirect_dma source(%dma_start3A_294 : memref<125x32xf32, #tpu.memory_space<vmem>>) target(%dma_start3A_300 : memref<10240x32xf32, #tpu.memory_space<vmem_shared>>) offsets(%dma_start3A_297 : memref<125xi32, #tpu.memory_space<vmem>>) semaphore(%run_scoped3A_290 : memref<!tpu.dma_semaphore, #tpu.memory_space<semaphore_mem>>) {add = true}
        %dma_wait3A_301 = arith.constant 0 : i32
        %dma_wait3A_302 = arith.constant 0 : i32
        %dma_wait3A_303 = tpu.memref_slice %arg9[%run_scoped3A_236, %dma_wait3A_301, %dma_wait3A_302] : memref<8x125x32xf32, #tpu.memory_space<vmem>> -> memref<1x125x32xf32, #tpu.memory_space<vmem>>
        %dma_wait3A_304 = tpu.memref_squeeze %dma_wait3A_303 : memref<1x125x32xf32, #tpu.memory_space<vmem>> -> memref<125x32xf32, #tpu.memory_space<vmem>>
        %dma_wait3A_305 = arith.constant 0 : i32
        %dma_wait3A_306 = tpu.memref_slice %arg8[%add3A_224, %dma_wait3A_305] : memref<80x125xi32, #tpu.memory_space<vmem>> -> memref<1x125xi32, #tpu.memory_space<vmem>>
        %dma_wait3A_307 = tpu.memref_squeeze %dma_wait3A_306 : memref<1x125xi32, #tpu.memory_space<vmem>> -> memref<125xi32, #tpu.memory_space<vmem>>
        %dma_wait3A_308 = arith.constant 0 : i32
        %dma_wait3A_309 = arith.constant 0 : i32
        %dma_wait3A_310 = tpu.memref_slice %arg10[%dma_wait3A_308, %dma_wait3A_309] : memref<10240x32xf32, #tpu.memory_space<vmem_shared>> -> memref<10240x32xf32, #tpu.memory_space<vmem_shared>>
        tpu.wait_indirect_dma semaphore(%run_scoped3A_290 : memref<!tpu.dma_semaphore, #tpu.memory_space<semaphore_mem>>) src(%dma_wait3A_304 : memref<125x32xf32, #tpu.memory_space<vmem>>) dst(%dma_wait3A_310 : memref<10240x32xf32, #tpu.memory_space<vmem_shared>>)
        tpu.yield
      }) : () -> ()
      %add3A_237 = arith.constant 8 : i32
      %add3A_238 = arith.addi %add3A_224, %add3A_237 : i32
      %lt3A_239 = arith.constant 80 : i32
      %lt3A_240 = arith.cmpi slt, %add3A_238, %lt3A_239 : i32
      %convert_element_type3A_241 = arith.extui %lt3A_240 : i1 to i32
      %cond3A_242 = arith.constant 0 : i32
      %cond3A_243 = arith.cmpi ne, %convert_element_type3A_241, %cond3A_242 : i32
      scf.if %cond3A_243 {
        %add3A_290 = arith.constant 8 : i32
        %add3A_291 = arith.addi %add3A_224, %add3A_290 : i32
        %dma_start3A_292 = arith.constant 5 : i32
        %dma_start3A_293 = arith.constant 0 : i32
        %dma_start3A_294 = arith.constant 0 : i32
        %dma_start3A_295 = tpu.memref_slice %arg9[%dma_start3A_292, %dma_start3A_293, %dma_start3A_294] : memref<8x125x32xf32, #tpu.memory_space<vmem>> -> memref<1x125x32xf32, #tpu.memory_space<vmem>>
        %dma_start3A_296 = tpu.memref_squeeze %dma_start3A_295 : memref<1x125x32xf32, #tpu.memory_space<vmem>> -> memref<125x32xf32, #tpu.memory_space<vmem>>
        %dma_start3A_297 = arith.constant 0 : i32
        %dma_start3A_298 = tpu.memref_slice %arg7[%add3A_291, %dma_start3A_297] : memref<80x125xi32, #tpu.memory_space<vmem>> -> memref<1x125xi32, #tpu.memory_space<vmem>>
        %dma_start3A_299 = tpu.memref_squeeze %dma_start3A_298 : memref<1x125xi32, #tpu.memory_space<vmem>> -> memref<125xi32, #tpu.memory_space<vmem>>
        %dma_start3A_300 = arith.constant 0 : i32
        %dma_start3A_301 = arith.constant 0 : i32
        %dma_start3A_302 = tpu.memref_slice %arg2[%dma_start3A_300, %dma_start3A_301] : memref<10000x32xf32, #tpu.memory_space<hbm>> -> memref<10000x32xf32, #tpu.memory_space<hbm>>
        tpu.enqueue_indirect_dma source(%dma_start3A_302 : memref<10000x32xf32, #tpu.memory_space<hbm>>) target(%dma_start3A_296 : memref<125x32xf32, #tpu.memory_space<vmem>>) offsets(%dma_start3A_299 : memref<125xi32, #tpu.memory_space<vmem>>) semaphore(%arg16 : memref<!tpu.dma_semaphore, #tpu.memory_space<semaphore_mem>>)
      } else {
      }
      %mul3A_244 = arith.constant 8 : i32
      %mul3A_245 = arith.muli %scan3A_110, %mul3A_244 : i32
      %add3A_246 = arith.constant 6 : i32
      %add3A_247 = arith.addi %mul3A_245, %add3A_246 : i32
      %dma_wait3A_248 = arith.constant 6 : i32
      %dma_wait3A_249 = arith.constant 0 : i32
      %dma_wait3A_250 = arith.constant 0 : i32
      %dma_wait3A_251 = tpu.memref_slice %arg9[%dma_wait3A_248, %dma_wait3A_249, %dma_wait3A_250] : memref<8x125x32xf32, #tpu.memory_space<vmem>> -> memref<1x125x32xf32, #tpu.memory_space<vmem>>
      %dma_wait3A_252 = tpu.memref_squeeze %dma_wait3A_251 : memref<1x125x32xf32, #tpu.memory_space<vmem>> -> memref<125x32xf32, #tpu.memory_space<vmem>>
      %dma_wait3A_253 = arith.constant 0 : i32
      %dma_wait3A_254 = tpu.memref_slice %arg7[%add3A_247, %dma_wait3A_253] : memref<80x125xi32, #tpu.memory_space<vmem>> -> memref<1x125xi32, #tpu.memory_space<vmem>>
      %dma_wait3A_255 = tpu.memref_squeeze %dma_wait3A_254 : memref<1x125xi32, #tpu.memory_space<vmem>> -> memref<125xi32, #tpu.memory_space<vmem>>
      %dma_wait3A_256 = arith.constant 0 : i32
      %dma_wait3A_257 = arith.constant 0 : i32
      %dma_wait3A_258 = tpu.memref_slice %arg2[%dma_wait3A_256, %dma_wait3A_257] : memref<10000x32xf32, #tpu.memory_space<hbm>> -> memref<10000x32xf32, #tpu.memory_space<hbm>>
      tpu.wait_indirect_dma semaphore(%arg17 : memref<!tpu.dma_semaphore, #tpu.memory_space<semaphore_mem>>) src(%dma_wait3A_258 : memref<10000x32xf32, #tpu.memory_space<hbm>>) dst(%dma_wait3A_252 : memref<125x32xf32, #tpu.memory_space<vmem>>)
      %run_scoped3A_259 = arith.constant 6 : i32
      "tpu.region"() ({
        %run_scoped3A_290 = tpu.sem_alloc : memref<!tpu.dma_semaphore, #tpu.memory_space<semaphore_mem>>
        %dma_start3A_291 = arith.constant 0 : i32
        %dma_start3A_292 = arith.constant 0 : i32
        %dma_start3A_293 = tpu.memref_slice %arg9[%run_scoped3A_259, %dma_start3A_291, %dma_start3A_292] : memref<8x125x32xf32, #tpu.memory_space<vmem>> -> memref<1x125x32xf32, #tpu.memory_space<vmem>>
        %dma_start3A_294 = tpu.memref_squeeze %dma_start3A_293 : memref<1x125x32xf32, #tpu.memory_space<vmem>> -> memref<125x32xf32, #tpu.memory_space<vmem>>
        %dma_start3A_295 = arith.constant 0 : i32
        %dma_start3A_296 = tpu.memref_slice %arg8[%add3A_247, %dma_start3A_295] : memref<80x125xi32, #tpu.memory_space<vmem>> -> memref<1x125xi32, #tpu.memory_space<vmem>>
        %dma_start3A_297 = tpu.memref_squeeze %dma_start3A_296 : memref<1x125xi32, #tpu.memory_space<vmem>> -> memref<125xi32, #tpu.memory_space<vmem>>
        %dma_start3A_298 = arith.constant 0 : i32
        %dma_start3A_299 = arith.constant 0 : i32
        %dma_start3A_300 = tpu.memref_slice %arg10[%dma_start3A_298, %dma_start3A_299] : memref<10240x32xf32, #tpu.memory_space<vmem_shared>> -> memref<10240x32xf32, #tpu.memory_space<vmem_shared>>
        tpu.enqueue_indirect_dma source(%dma_start3A_294 : memref<125x32xf32, #tpu.memory_space<vmem>>) target(%dma_start3A_300 : memref<10240x32xf32, #tpu.memory_space<vmem_shared>>) offsets(%dma_start3A_297 : memref<125xi32, #tpu.memory_space<vmem>>) semaphore(%run_scoped3A_290 : memref<!tpu.dma_semaphore, #tpu.memory_space<semaphore_mem>>) {add = true}
        %dma_wait3A_301 = arith.constant 0 : i32
        %dma_wait3A_302 = arith.constant 0 : i32
        %dma_wait3A_303 = tpu.memref_slice %arg9[%run_scoped3A_259, %dma_wait3A_301, %dma_wait3A_302] : memref<8x125x32xf32, #tpu.memory_space<vmem>> -> memref<1x125x32xf32, #tpu.memory_space<vmem>>
        %dma_wait3A_304 = tpu.memref_squeeze %dma_wait3A_303 : memref<1x125x32xf32, #tpu.memory_space<vmem>> -> memref<125x32xf32, #tpu.memory_space<vmem>>
        %dma_wait3A_305 = arith.constant 0 : i32
        %dma_wait3A_306 = tpu.memref_slice %arg8[%add3A_247, %dma_wait3A_305] : memref<80x125xi32, #tpu.memory_space<vmem>> -> memref<1x125xi32, #tpu.memory_space<vmem>>
        %dma_wait3A_307 = tpu.memref_squeeze %dma_wait3A_306 : memref<1x125xi32, #tpu.memory_space<vmem>> -> memref<125xi32, #tpu.memory_space<vmem>>
        %dma_wait3A_308 = arith.constant 0 : i32
        %dma_wait3A_309 = arith.constant 0 : i32
        %dma_wait3A_310 = tpu.memref_slice %arg10[%dma_wait3A_308, %dma_wait3A_309] : memref<10240x32xf32, #tpu.memory_space<vmem_shared>> -> memref<10240x32xf32, #tpu.memory_space<vmem_shared>>
        tpu.wait_indirect_dma semaphore(%run_scoped3A_290 : memref<!tpu.dma_semaphore, #tpu.memory_space<semaphore_mem>>) src(%dma_wait3A_304 : memref<125x32xf32, #tpu.memory_space<vmem>>) dst(%dma_wait3A_310 : memref<10240x32xf32, #tpu.memory_space<vmem_shared>>)
        tpu.yield
      }) : () -> ()
      %add3A_260 = arith.constant 8 : i32
      %add3A_261 = arith.addi %add3A_247, %add3A_260 : i32
      %lt3A_262 = arith.constant 80 : i32
      %lt3A_263 = arith.cmpi slt, %add3A_261, %lt3A_262 : i32
      %convert_element_type3A_264 = arith.extui %lt3A_263 : i1 to i32
      %cond3A_265 = arith.constant 0 : i32
      %cond3A_266 = arith.cmpi ne, %convert_element_type3A_264, %cond3A_265 : i32
      scf.if %cond3A_266 {
        %add3A_290 = arith.constant 8 : i32
        %add3A_291 = arith.addi %add3A_247, %add3A_290 : i32
        %dma_start3A_292 = arith.constant 6 : i32
        %dma_start3A_293 = arith.constant 0 : i32
        %dma_start3A_294 = arith.constant 0 : i32
        %dma_start3A_295 = tpu.memref_slice %arg9[%dma_start3A_292, %dma_start3A_293, %dma_start3A_294] : memref<8x125x32xf32, #tpu.memory_space<vmem>> -> memref<1x125x32xf32, #tpu.memory_space<vmem>>
        %dma_start3A_296 = tpu.memref_squeeze %dma_start3A_295 : memref<1x125x32xf32, #tpu.memory_space<vmem>> -> memref<125x32xf32, #tpu.memory_space<vmem>>
        %dma_start3A_297 = arith.constant 0 : i32
        %dma_start3A_298 = tpu.memref_slice %arg7[%add3A_291, %dma_start3A_297] : memref<80x125xi32, #tpu.memory_space<vmem>> -> memref<1x125xi32, #tpu.memory_space<vmem>>
        %dma_start3A_299 = tpu.memref_squeeze %dma_start3A_298 : memref<1x125xi32, #tpu.memory_space<vmem>> -> memref<125xi32, #tpu.memory_space<vmem>>
        %dma_start3A_300 = arith.constant 0 : i32
        %dma_start3A_301 = arith.constant 0 : i32
        %dma_start3A_302 = tpu.memref_slice %arg2[%dma_start3A_300, %dma_start3A_301] : memref<10000x32xf32, #tpu.memory_space<hbm>> -> memref<10000x32xf32, #tpu.memory_space<hbm>>
        tpu.enqueue_indirect_dma source(%dma_start3A_302 : memref<10000x32xf32, #tpu.memory_space<hbm>>) target(%dma_start3A_296 : memref<125x32xf32, #tpu.memory_space<vmem>>) offsets(%dma_start3A_299 : memref<125xi32, #tpu.memory_space<vmem>>) semaphore(%arg17 : memref<!tpu.dma_semaphore, #tpu.memory_space<semaphore_mem>>)
      } else {
      }
      %mul3A_267 = arith.constant 8 : i32
      %mul3A_268 = arith.muli %scan3A_110, %mul3A_267 : i32
      %add3A_269 = arith.constant 7 : i32
      %add3A_270 = arith.addi %mul3A_268, %add3A_269 : i32
      %dma_wait3A_271 = arith.constant 7 : i32
      %dma_wait3A_272 = arith.constant 0 : i32
      %dma_wait3A_273 = arith.constant 0 : i32
      %dma_wait3A_274 = tpu.memref_slice %arg9[%dma_wait3A_271, %dma_wait3A_272, %dma_wait3A_273] : memref<8x125x32xf32, #tpu.memory_space<vmem>> -> memref<1x125x32xf32, #tpu.memory_space<vmem>>
      %dma_wait3A_275 = tpu.memref_squeeze %dma_wait3A_274 : memref<1x125x32xf32, #tpu.memory_space<vmem>> -> memref<125x32xf32, #tpu.memory_space<vmem>>
      %dma_wait3A_276 = arith.constant 0 : i32
      %dma_wait3A_277 = tpu.memref_slice %arg7[%add3A_270, %dma_wait3A_276] : memref<80x125xi32, #tpu.memory_space<vmem>> -> memref<1x125xi32, #tpu.memory_space<vmem>>
      %dma_wait3A_278 = tpu.memref_squeeze %dma_wait3A_277 : memref<1x125xi32, #tpu.memory_space<vmem>> -> memref<125xi32, #tpu.memory_space<vmem>>
      %dma_wait3A_279 = arith.constant 0 : i32
      %dma_wait3A_280 = arith.constant 0 : i32
      %dma_wait3A_281 = tpu.memref_slice %arg2[%dma_wait3A_279, %dma_wait3A_280] : memref<10000x32xf32, #tpu.memory_space<hbm>> -> memref<10000x32xf32, #tpu.memory_space<hbm>>
      tpu.wait_indirect_dma semaphore(%arg18 : memref<!tpu.dma_semaphore, #tpu.memory_space<semaphore_mem>>) src(%dma_wait3A_281 : memref<10000x32xf32, #tpu.memory_space<hbm>>) dst(%dma_wait3A_275 : memref<125x32xf32, #tpu.memory_space<vmem>>)
      %run_scoped3A_282 = arith.constant 7 : i32
      "tpu.region"() ({
        %run_scoped3A_290 = tpu.sem_alloc : memref<!tpu.dma_semaphore, #tpu.memory_space<semaphore_mem>>
        %dma_start3A_291 = arith.constant 0 : i32
        %dma_start3A_292 = arith.constant 0 : i32
        %dma_start3A_293 = tpu.memref_slice %arg9[%run_scoped3A_282, %dma_start3A_291, %dma_start3A_292] : memref<8x125x32xf32, #tpu.memory_space<vmem>> -> memref<1x125x32xf32, #tpu.memory_space<vmem>>
        %dma_start3A_294 = tpu.memref_squeeze %dma_start3A_293 : memref<1x125x32xf32, #tpu.memory_space<vmem>> -> memref<125x32xf32, #tpu.memory_space<vmem>>
        %dma_start3A_295 = arith.constant 0 : i32
        %dma_start3A_296 = tpu.memref_slice %arg8[%add3A_270, %dma_start3A_295] : memref<80x125xi32, #tpu.memory_space<vmem>> -> memref<1x125xi32, #tpu.memory_space<vmem>>
        %dma_start3A_297 = tpu.memref_squeeze %dma_start3A_296 : memref<1x125xi32, #tpu.memory_space<vmem>> -> memref<125xi32, #tpu.memory_space<vmem>>
        %dma_start3A_298 = arith.constant 0 : i32
        %dma_start3A_299 = arith.constant 0 : i32
        %dma_start3A_300 = tpu.memref_slice %arg10[%dma_start3A_298, %dma_start3A_299] : memref<10240x32xf32, #tpu.memory_space<vmem_shared>> -> memref<10240x32xf32, #tpu.memory_space<vmem_shared>>
        tpu.enqueue_indirect_dma source(%dma_start3A_294 : memref<125x32xf32, #tpu.memory_space<vmem>>) target(%dma_start3A_300 : memref<10240x32xf32, #tpu.memory_space<vmem_shared>>) offsets(%dma_start3A_297 : memref<125xi32, #tpu.memory_space<vmem>>) semaphore(%run_scoped3A_290 : memref<!tpu.dma_semaphore, #tpu.memory_space<semaphore_mem>>) {add = true}
        %dma_wait3A_301 = arith.constant 0 : i32
        %dma_wait3A_302 = arith.constant 0 : i32
        %dma_wait3A_303 = tpu.memref_slice %arg9[%run_scoped3A_282, %dma_wait3A_301, %dma_wait3A_302] : memref<8x125x32xf32, #tpu.memory_space<vmem>> -> memref<1x125x32xf32, #tpu.memory_space<vmem>>
        %dma_wait3A_304 = tpu.memref_squeeze %dma_wait3A_303 : memref<1x125x32xf32, #tpu.memory_space<vmem>> -> memref<125x32xf32, #tpu.memory_space<vmem>>
        %dma_wait3A_305 = arith.constant 0 : i32
        %dma_wait3A_306 = tpu.memref_slice %arg8[%add3A_270, %dma_wait3A_305] : memref<80x125xi32, #tpu.memory_space<vmem>> -> memref<1x125xi32, #tpu.memory_space<vmem>>
        %dma_wait3A_307 = tpu.memref_squeeze %dma_wait3A_306 : memref<1x125xi32, #tpu.memory_space<vmem>> -> memref<125xi32, #tpu.memory_space<vmem>>
        %dma_wait3A_308 = arith.constant 0 : i32
        %dma_wait3A_309 = arith.constant 0 : i32
        %dma_wait3A_310 = tpu.memref_slice %arg10[%dma_wait3A_308, %dma_wait3A_309] : memref<10240x32xf32, #tpu.memory_space<vmem_shared>> -> memref<10240x32xf32, #tpu.memory_space<vmem_shared>>
        tpu.wait_indirect_dma semaphore(%run_scoped3A_290 : memref<!tpu.dma_semaphore, #tpu.memory_space<semaphore_mem>>) src(%dma_wait3A_304 : memref<125x32xf32, #tpu.memory_space<vmem>>) dst(%dma_wait3A_310 : memref<10240x32xf32, #tpu.memory_space<vmem_shared>>)
        tpu.yield
      }) : () -> ()
      %add3A_283 = arith.constant 8 : i32
      %add3A_284 = arith.addi %add3A_270, %add3A_283 : i32
      %lt3A_285 = arith.constant 80 : i32
      %lt3A_286 = arith.cmpi slt, %add3A_284, %lt3A_285 : i32
      %convert_element_type3A_287 = arith.extui %lt3A_286 : i1 to i32
      %cond3A_288 = arith.constant 0 : i32
      %cond3A_289 = arith.cmpi ne, %convert_element_type3A_287, %cond3A_288 : i32
      scf.if %cond3A_289 {
        %add3A_290 = arith.constant 8 : i32
        %add3A_291 = arith.addi %add3A_270, %add3A_290 : i32
        %dma_start3A_292 = arith.constant 7 : i32
        %dma_start3A_293 = arith.constant 0 : i32
        %dma_start3A_294 = arith.constant 0 : i32
        %dma_start3A_295 = tpu.memref_slice %arg9[%dma_start3A_292, %dma_start3A_293, %dma_start3A_294] : memref<8x125x32xf32, #tpu.memory_space<vmem>> -> memref<1x125x32xf32, #tpu.memory_space<vmem>>
        %dma_start3A_296 = tpu.memref_squeeze %dma_start3A_295 : memref<1x125x32xf32, #tpu.memory_space<vmem>> -> memref<125x32xf32, #tpu.memory_space<vmem>>
        %dma_start3A_297 = arith.constant 0 : i32
        %dma_start3A_298 = tpu.memref_slice %arg7[%add3A_291, %dma_start3A_297] : memref<80x125xi32, #tpu.memory_space<vmem>> -> memref<1x125xi32, #tpu.memory_space<vmem>>
        %dma_start3A_299 = tpu.memref_squeeze %dma_start3A_298 : memref<1x125xi32, #tpu.memory_space<vmem>> -> memref<125xi32, #tpu.memory_space<vmem>>
        %dma_start3A_300 = arith.constant 0 : i32
        %dma_start3A_301 = arith.constant 0 : i32
        %dma_start3A_302 = tpu.memref_slice %arg2[%dma_start3A_300, %dma_start3A_301] : memref<10000x32xf32, #tpu.memory_space<hbm>> -> memref<10000x32xf32, #tpu.memory_space<hbm>>
        tpu.enqueue_indirect_dma source(%dma_start3A_302 : memref<10000x32xf32, #tpu.memory_space<hbm>>) target(%dma_start3A_296 : memref<125x32xf32, #tpu.memory_space<vmem>>) offsets(%dma_start3A_299 : memref<125xi32, #tpu.memory_space<vmem>>) semaphore(%arg18 : memref<!tpu.dma_semaphore, #tpu.memory_space<semaphore_mem>>)
      } else {
      }
    }
    %scan3A_104 = arith.constant 10 : i32
    %barrier3A_105 = arith.constant 0 : index
    tpu.barrier barrier_id(%barrier3A_105)
    %mul3A_106 = arith.constant 640 : i32
    %mul3A_107 = arith.muli %arg1, %mul3A_106 : i32
    %mul3A_108 = arith.constant 640 : i32
    %mul3A_109 = arith.muli %arg1, %mul3A_108 : i32
    "tpu.region"() ({
      %run_scoped3A = tpu.sem_alloc : memref<!tpu.dma_semaphore, #tpu.memory_space<semaphore_mem>>
      %dma_start3A_110 = arith.constant 0 : i32
      %dma_start3A_111 = tpu.memref_slice %arg6[%arg0, %mul3A_109, %dma_start3A_110] : memref<2x10240x32xf32, #tpu.memory_space<hbm>> -> memref<1x640x32xf32, #tpu.memory_space<hbm>>
      %dma_start3A_112 = tpu.memref_squeeze %dma_start3A_111 : memref<1x640x32xf32, #tpu.memory_space<hbm>> -> memref<640x32xf32, #tpu.memory_space<hbm>>
      %dma_start3A_113 = arith.constant 0 : i32
      %dma_start3A_114 = tpu.memref_slice %arg10[%mul3A_107, %dma_start3A_113] : memref<10240x32xf32, #tpu.memory_space<vmem_shared>> -> memref<640x32xf32, #tpu.memory_space<vmem_shared>>
      tpu.enqueue_dma source(%dma_start3A_114 : memref<640x32xf32, #tpu.memory_space<vmem_shared>>) target(%dma_start3A_112 : memref<640x32xf32, #tpu.memory_space<hbm>>) target_semaphore(%run_scoped3A : memref<!tpu.dma_semaphore, #tpu.memory_space<semaphore_mem>>)
      %dma_wait3A = arith.constant 0 : i32
      %dma_wait3A_115 = tpu.memref_slice %arg6[%arg0, %mul3A_109, %dma_wait3A] : memref<2x10240x32xf32, #tpu.memory_space<hbm>> -> memref<1x640x32xf32, #tpu.memory_space<hbm>>
      %dma_wait3A_116 = tpu.memref_squeeze %dma_wait3A_115 : memref<1x640x32xf32, #tpu.memory_space<hbm>> -> memref<640x32xf32, #tpu.memory_space<hbm>>
      %dma_wait3A_117 = arith.constant 0 : i32
      %dma_wait3A_118 = tpu.memref_slice %arg10[%mul3A_107, %dma_wait3A_117] : memref<10240x32xf32, #tpu.memory_space<vmem_shared>> -> memref<640x32xf32, #tpu.memory_space<vmem_shared>>
      tpu.wait_dma2 semaphore(%run_scoped3A : memref<!tpu.dma_semaphore, #tpu.memory_space<semaphore_mem>>) src(%dma_wait3A_118 : memref<640x32xf32, #tpu.memory_space<vmem_shared>>) dst(%dma_wait3A_116 : memref<640x32xf32, #tpu.memory_space<hbm>>)
      tpu.yield
    }) : () -> ()
    return
  }
}

#map = affine_map<(d0, d1) -> (0, 0)>
#map1 = affine_map<(d0, d1) -> (0, 0, 0, 0)>
#map2 = affine_map<(d0, d1) -> (0, 0, 0)>
module attributes {stable_mosaic.version = 14 : i64} {
  func.func @_body(%arg0: i32, %arg1: i32, %arg2: memref<20000x64xf32, #tpu.memory_space<hbm>>, %arg3: memref<2x16x160x125xi32, #tpu.memory_space<hbm>>, %arg4: memref<16x160x125xi32, #tpu.memory_space<hbm>>, %arg5: memref<10240x64xf32, #tpu.memory_space<hbm>>, %arg6: memref<10240x128xf32, #tpu.memory_space<hbm>>, %arg7: memref<160x125xi32, #tpu.memory_space<vmem>>, %arg8: memref<160x125xi32, #tpu.memory_space<vmem>>, %arg9: memref<4x125x64xf32, #tpu.memory_space<vmem>>, %arg10: memref<10240x64xf32, #tpu.memory_space<vmem_shared>>, %arg11: memref<!tpu.dma_semaphore, #tpu.memory_space<semaphore_mem>>, %arg12: memref<!tpu.dma_semaphore, #tpu.memory_space<semaphore_mem>>, %arg13: memref<!tpu.dma_semaphore, #tpu.memory_space<semaphore_mem>>, %arg14: memref<!tpu.dma_semaphore, #tpu.memory_space<semaphore_mem>>) attributes {dimension_semantics = [#tpu.dimension_semantics<core_parallel>, #tpu.dimension_semantics<subcore_parallel>], iteration_bounds = array<i64: 2, 16>, scalar_prefetch = 0 : i64, scratch_operands = 8 : i64, tpu.core_type = #tpu.core_type<sc_vector_subcore>, window_params = [{transform_indices = #map}, {transform_indices = #map1}, {transform_indices = #map2}, {transform_indices = #map}, {transform_indices = #map}]} {
    "tpu.region"() ({
      %run_scoped3A = tpu.sem_alloc : memref<!tpu.dma_semaphore, #tpu.memory_space<semaphore_mem>>
      %dma_start3A_62 = arith.constant 0 : i32
      %dma_start3A_63 = arith.constant 0 : i32
      %dma_start3A_64 = tpu.memref_slice %arg3[%arg0, %arg1, %dma_start3A_62, %dma_start3A_63] : memref<2x16x160x125xi32, #tpu.memory_space<hbm>> -> memref<1x1x160x125xi32, #tpu.memory_space<hbm>>
      %dma_start3A_65 = tpu.memref_squeeze %dma_start3A_64 : memref<1x1x160x125xi32, #tpu.memory_space<hbm>> -> memref<160x125xi32, #tpu.memory_space<hbm>>
      %dma_start3A_66 = arith.constant 0 : i32
      %dma_start3A_67 = arith.constant 0 : i32
      %dma_start3A_68 = tpu.memref_slice %arg3[%arg0, %arg1, %dma_start3A_66, %dma_start3A_67] : memref<2x16x160x125xi32, #tpu.memory_space<hbm>> -> memref<1x1x160x125xi32, #tpu.memory_space<hbm>>
      %dma_start3A_69 = tpu.memref_squeeze %dma_start3A_68 : memref<1x1x160x125xi32, #tpu.memory_space<hbm>> -> memref<160x125xi32, #tpu.memory_space<hbm>>
      tpu.enqueue_dma source(%dma_start3A_69 : memref<160x125xi32, #tpu.memory_space<hbm>>) target(%arg7 : memref<160x125xi32, #tpu.memory_space<vmem>>) target_semaphore(%run_scoped3A : memref<!tpu.dma_semaphore, #tpu.memory_space<semaphore_mem>>)
      %dma_wait3A = arith.constant 0 : i32
      %dma_wait3A_70 = arith.constant 0 : i32
      %dma_wait3A_71 = tpu.memref_slice %arg3[%arg0, %arg1, %dma_wait3A, %dma_wait3A_70] : memref<2x16x160x125xi32, #tpu.memory_space<hbm>> -> memref<1x1x160x125xi32, #tpu.memory_space<hbm>>
      %dma_wait3A_72 = tpu.memref_squeeze %dma_wait3A_71 : memref<1x1x160x125xi32, #tpu.memory_space<hbm>> -> memref<160x125xi32, #tpu.memory_space<hbm>>
      %dma_wait3A_73 = arith.constant 0 : i32
      %dma_wait3A_74 = arith.constant 0 : i32
      %dma_wait3A_75 = tpu.memref_slice %arg3[%arg0, %arg1, %dma_wait3A_73, %dma_wait3A_74] : memref<2x16x160x125xi32, #tpu.memory_space<hbm>> -> memref<1x1x160x125xi32, #tpu.memory_space<hbm>>
      %dma_wait3A_76 = tpu.memref_squeeze %dma_wait3A_75 : memref<1x1x160x125xi32, #tpu.memory_space<hbm>> -> memref<160x125xi32, #tpu.memory_space<hbm>>
      tpu.wait_dma2 semaphore(%run_scoped3A : memref<!tpu.dma_semaphore, #tpu.memory_space<semaphore_mem>>) src(%dma_wait3A_76 : memref<160x125xi32, #tpu.memory_space<hbm>>) dst(%arg7 : memref<160x125xi32, #tpu.memory_space<vmem>>)
      tpu.yield
    }) : () -> ()
    "tpu.region"() ({
      %run_scoped3A = tpu.sem_alloc : memref<!tpu.dma_semaphore, #tpu.memory_space<semaphore_mem>>
      %dma_start3A_62 = arith.constant 0 : i32
      %dma_start3A_63 = arith.constant 0 : i32
      %dma_start3A_64 = tpu.memref_slice %arg4[%arg1, %dma_start3A_62, %dma_start3A_63] : memref<16x160x125xi32, #tpu.memory_space<hbm>> -> memref<1x160x125xi32, #tpu.memory_space<hbm>>
      %dma_start3A_65 = tpu.memref_squeeze %dma_start3A_64 : memref<1x160x125xi32, #tpu.memory_space<hbm>> -> memref<160x125xi32, #tpu.memory_space<hbm>>
      %dma_start3A_66 = arith.constant 0 : i32
      %dma_start3A_67 = arith.constant 0 : i32
      %dma_start3A_68 = tpu.memref_slice %arg4[%arg1, %dma_start3A_66, %dma_start3A_67] : memref<16x160x125xi32, #tpu.memory_space<hbm>> -> memref<1x160x125xi32, #tpu.memory_space<hbm>>
      %dma_start3A_69 = tpu.memref_squeeze %dma_start3A_68 : memref<1x160x125xi32, #tpu.memory_space<hbm>> -> memref<160x125xi32, #tpu.memory_space<hbm>>
      tpu.enqueue_dma source(%dma_start3A_69 : memref<160x125xi32, #tpu.memory_space<hbm>>) target(%arg8 : memref<160x125xi32, #tpu.memory_space<vmem>>) target_semaphore(%run_scoped3A : memref<!tpu.dma_semaphore, #tpu.memory_space<semaphore_mem>>)
      %dma_wait3A = arith.constant 0 : i32
      %dma_wait3A_70 = arith.constant 0 : i32
      %dma_wait3A_71 = tpu.memref_slice %arg4[%arg1, %dma_wait3A, %dma_wait3A_70] : memref<16x160x125xi32, #tpu.memory_space<hbm>> -> memref<1x160x125xi32, #tpu.memory_space<hbm>>
      %dma_wait3A_72 = tpu.memref_squeeze %dma_wait3A_71 : memref<1x160x125xi32, #tpu.memory_space<hbm>> -> memref<160x125xi32, #tpu.memory_space<hbm>>
      %dma_wait3A_73 = arith.constant 0 : i32
      %dma_wait3A_74 = arith.constant 0 : i32
      %dma_wait3A_75 = tpu.memref_slice %arg4[%arg1, %dma_wait3A_73, %dma_wait3A_74] : memref<16x160x125xi32, #tpu.memory_space<hbm>> -> memref<1x160x125xi32, #tpu.memory_space<hbm>>
      %dma_wait3A_76 = tpu.memref_squeeze %dma_wait3A_75 : memref<1x160x125xi32, #tpu.memory_space<hbm>> -> memref<160x125xi32, #tpu.memory_space<hbm>>
      tpu.wait_dma2 semaphore(%run_scoped3A : memref<!tpu.dma_semaphore, #tpu.memory_space<semaphore_mem>>) src(%dma_wait3A_76 : memref<160x125xi32, #tpu.memory_space<hbm>>) dst(%arg8 : memref<160x125xi32, #tpu.memory_space<vmem>>)
      tpu.yield
    }) : () -> ()
    %dma_start3A = arith.constant 0 : i32
    %dma_start3A_0 = arith.constant 0 : i32
    %dma_start3A_1 = arith.constant 0 : i32
    %dma_start3A_2 = arith.constant 0 : i32
    %dma_start3A_3 = tpu.memref_slice %arg9[%dma_start3A_0, %dma_start3A_1, %dma_start3A_2] : memref<4x125x64xf32, #tpu.memory_space<vmem>> -> memref<1x125x64xf32, #tpu.memory_space<vmem>>
    %dma_start3A_4 = tpu.memref_squeeze %dma_start3A_3 : memref<1x125x64xf32, #tpu.memory_space<vmem>> -> memref<125x64xf32, #tpu.memory_space<vmem>>
    %dma_start3A_5 = arith.constant 0 : i32
    %dma_start3A_6 = tpu.memref_slice %arg7[%dma_start3A, %dma_start3A_5] : memref<160x125xi32, #tpu.memory_space<vmem>> -> memref<1x125xi32, #tpu.memory_space<vmem>>
    %dma_start3A_7 = tpu.memref_squeeze %dma_start3A_6 : memref<1x125xi32, #tpu.memory_space<vmem>> -> memref<125xi32, #tpu.memory_space<vmem>>
    %dma_start3A_8 = arith.constant 0 : i32
    %dma_start3A_9 = arith.constant 0 : i32
    %dma_start3A_10 = tpu.memref_slice %arg2[%dma_start3A_8, %dma_start3A_9] : memref<20000x64xf32, #tpu.memory_space<hbm>> -> memref<20000x64xf32, #tpu.memory_space<hbm>>
    tpu.enqueue_indirect_dma source(%dma_start3A_10 : memref<20000x64xf32, #tpu.memory_space<hbm>>) target(%dma_start3A_4 : memref<125x64xf32, #tpu.memory_space<vmem>>) offsets(%dma_start3A_7 : memref<125xi32, #tpu.memory_space<vmem>>) semaphore(%arg11 : memref<!tpu.dma_semaphore, #tpu.memory_space<semaphore_mem>>)
    %dma_start3A_11 = arith.constant 1 : i32
    %dma_start3A_12 = arith.constant 1 : i32
    %dma_start3A_13 = arith.constant 0 : i32
    %dma_start3A_14 = arith.constant 0 : i32
    %dma_start3A_15 = tpu.memref_slice %arg9[%dma_start3A_12, %dma_start3A_13, %dma_start3A_14] : memref<4x125x64xf32, #tpu.memory_space<vmem>> -> memref<1x125x64xf32, #tpu.memory_space<vmem>>
    %dma_start3A_16 = tpu.memref_squeeze %dma_start3A_15 : memref<1x125x64xf32, #tpu.memory_space<vmem>> -> memref<125x64xf32, #tpu.memory_space<vmem>>
    %dma_start3A_17 = arith.constant 0 : i32
    %dma_start3A_18 = tpu.memref_slice %arg7[%dma_start3A_11, %dma_start3A_17] : memref<160x125xi32, #tpu.memory_space<vmem>> -> memref<1x125xi32, #tpu.memory_space<vmem>>
    %dma_start3A_19 = tpu.memref_squeeze %dma_start3A_18 : memref<1x125xi32, #tpu.memory_space<vmem>> -> memref<125xi32, #tpu.memory_space<vmem>>
    %dma_start3A_20 = arith.constant 0 : i32
    %dma_start3A_21 = arith.constant 0 : i32
    %dma_start3A_22 = tpu.memref_slice %arg2[%dma_start3A_20, %dma_start3A_21] : memref<20000x64xf32, #tpu.memory_space<hbm>> -> memref<20000x64xf32, #tpu.memory_space<hbm>>
    tpu.enqueue_indirect_dma source(%dma_start3A_22 : memref<20000x64xf32, #tpu.memory_space<hbm>>) target(%dma_start3A_16 : memref<125x64xf32, #tpu.memory_space<vmem>>) offsets(%dma_start3A_19 : memref<125xi32, #tpu.memory_space<vmem>>) semaphore(%arg12 : memref<!tpu.dma_semaphore, #tpu.memory_space<semaphore_mem>>)
    %dma_start3A_23 = arith.constant 2 : i32
    %dma_start3A_24 = arith.constant 2 : i32
    %dma_start3A_25 = arith.constant 0 : i32
    %dma_start3A_26 = arith.constant 0 : i32
    %dma_start3A_27 = tpu.memref_slice %arg9[%dma_start3A_24, %dma_start3A_25, %dma_start3A_26] : memref<4x125x64xf32, #tpu.memory_space<vmem>> -> memref<1x125x64xf32, #tpu.memory_space<vmem>>
    %dma_start3A_28 = tpu.memref_squeeze %dma_start3A_27 : memref<1x125x64xf32, #tpu.memory_space<vmem>> -> memref<125x64xf32, #tpu.memory_space<vmem>>
    %dma_start3A_29 = arith.constant 0 : i32
    %dma_start3A_30 = tpu.memref_slice %arg7[%dma_start3A_23, %dma_start3A_29] : memref<160x125xi32, #tpu.memory_space<vmem>> -> memref<1x125xi32, #tpu.memory_space<vmem>>
    %dma_start3A_31 = tpu.memref_squeeze %dma_start3A_30 : memref<1x125xi32, #tpu.memory_space<vmem>> -> memref<125xi32, #tpu.memory_space<vmem>>
    %dma_start3A_32 = arith.constant 0 : i32
    %dma_start3A_33 = arith.constant 0 : i32
    %dma_start3A_34 = tpu.memref_slice %arg2[%dma_start3A_32, %dma_start3A_33] : memref<20000x64xf32, #tpu.memory_space<hbm>> -> memref<20000x64xf32, #tpu.memory_space<hbm>>
    tpu.enqueue_indirect_dma source(%dma_start3A_34 : memref<20000x64xf32, #tpu.memory_space<hbm>>) target(%dma_start3A_28 : memref<125x64xf32, #tpu.memory_space<vmem>>) offsets(%dma_start3A_31 : memref<125xi32, #tpu.memory_space<vmem>>) semaphore(%arg13 : memref<!tpu.dma_semaphore, #tpu.memory_space<semaphore_mem>>)
    %dma_start3A_35 = arith.constant 3 : i32
    %dma_start3A_36 = arith.constant 3 : i32
    %dma_start3A_37 = arith.constant 0 : i32
    %dma_start3A_38 = arith.constant 0 : i32
    %dma_start3A_39 = tpu.memref_slice %arg9[%dma_start3A_36, %dma_start3A_37, %dma_start3A_38] : memref<4x125x64xf32, #tpu.memory_space<vmem>> -> memref<1x125x64xf32, #tpu.memory_space<vmem>>
    %dma_start3A_40 = tpu.memref_squeeze %dma_start3A_39 : memref<1x125x64xf32, #tpu.memory_space<vmem>> -> memref<125x64xf32, #tpu.memory_space<vmem>>
    %dma_start3A_41 = arith.constant 0 : i32
    %dma_start3A_42 = tpu.memref_slice %arg7[%dma_start3A_35, %dma_start3A_41] : memref<160x125xi32, #tpu.memory_space<vmem>> -> memref<1x125xi32, #tpu.memory_space<vmem>>
    %dma_start3A_43 = tpu.memref_squeeze %dma_start3A_42 : memref<1x125xi32, #tpu.memory_space<vmem>> -> memref<125xi32, #tpu.memory_space<vmem>>
    %dma_start3A_44 = arith.constant 0 : i32
    %dma_start3A_45 = arith.constant 0 : i32
    %dma_start3A_46 = tpu.memref_slice %arg2[%dma_start3A_44, %dma_start3A_45] : memref<20000x64xf32, #tpu.memory_space<hbm>> -> memref<20000x64xf32, #tpu.memory_space<hbm>>
    tpu.enqueue_indirect_dma source(%dma_start3A_46 : memref<20000x64xf32, #tpu.memory_space<hbm>>) target(%dma_start3A_40 : memref<125x64xf32, #tpu.memory_space<vmem>>) offsets(%dma_start3A_43 : memref<125xi32, #tpu.memory_space<vmem>>) semaphore(%arg14 : memref<!tpu.dma_semaphore, #tpu.memory_space<semaphore_mem>>)
    %mul3A = arith.constant 640 : i32
    %mul3A_47 = arith.muli %arg1, %mul3A : i32
    %mul3A_48 = arith.constant 640 : i32
    %mul3A_49 = arith.muli %arg1, %mul3A_48 : i32
    "tpu.region"() ({
      %run_scoped3A = tpu.sem_alloc : memref<!tpu.dma_semaphore, #tpu.memory_space<semaphore_mem>>
      %dma_start3A_62 = arith.constant 0 : i32
      %dma_start3A_63 = tpu.memref_slice %arg10[%mul3A_49, %dma_start3A_62] : memref<10240x64xf32, #tpu.memory_space<vmem_shared>> -> memref<640x64xf32, #tpu.memory_space<vmem_shared>>
      %dma_start3A_64 = arith.constant 0 : i32
      %dma_start3A_65 = tpu.memref_slice %arg5[%mul3A_47, %dma_start3A_64] : memref<10240x64xf32, #tpu.memory_space<hbm>> -> memref<640x64xf32, #tpu.memory_space<hbm>>
      tpu.enqueue_dma source(%dma_start3A_65 : memref<640x64xf32, #tpu.memory_space<hbm>>) target(%dma_start3A_63 : memref<640x64xf32, #tpu.memory_space<vmem_shared>>) target_semaphore(%run_scoped3A : memref<!tpu.dma_semaphore, #tpu.memory_space<semaphore_mem>>)
      %dma_wait3A = arith.constant 0 : i32
      %dma_wait3A_66 = tpu.memref_slice %arg10[%mul3A_49, %dma_wait3A] : memref<10240x64xf32, #tpu.memory_space<vmem_shared>> -> memref<640x64xf32, #tpu.memory_space<vmem_shared>>
      %dma_wait3A_67 = arith.constant 0 : i32
      %dma_wait3A_68 = tpu.memref_slice %arg5[%mul3A_47, %dma_wait3A_67] : memref<10240x64xf32, #tpu.memory_space<hbm>> -> memref<640x64xf32, #tpu.memory_space<hbm>>
      tpu.wait_dma2 semaphore(%run_scoped3A : memref<!tpu.dma_semaphore, #tpu.memory_space<semaphore_mem>>) src(%dma_wait3A_68 : memref<640x64xf32, #tpu.memory_space<hbm>>) dst(%dma_wait3A_66 : memref<640x64xf32, #tpu.memory_space<vmem_shared>>)
      tpu.yield
    }) : () -> ()
    %barrier3A = arith.constant 0 : index
    tpu.barrier barrier_id(%barrier3A)
    %scan3A = arith.constant 0 : i32
    %scan3A_50 = arith.constant 0 : i32
    %scan3A_51 = arith.constant 40 : i32
    %scan3A_52 = arith.addi %scan3A_50, %scan3A_51 : i32
    %scan3A_53 = arith.constant 1 : i32
    scf.for %scan3A_62 = %scan3A_50 to %scan3A_52 step %scan3A_53  : i32 {
      %mul3A_63 = arith.constant 4 : i32
      %mul3A_64 = arith.muli %scan3A_62, %mul3A_63 : i32
      %add3A = arith.constant 0 : i32
      %add3A_65 = arith.addi %mul3A_64, %add3A : i32
      %dma_wait3A = arith.constant 0 : i32
      %dma_wait3A_66 = arith.constant 0 : i32
      %dma_wait3A_67 = arith.constant 0 : i32
      %dma_wait3A_68 = tpu.memref_slice %arg9[%dma_wait3A, %dma_wait3A_66, %dma_wait3A_67] : memref<4x125x64xf32, #tpu.memory_space<vmem>> -> memref<1x125x64xf32, #tpu.memory_space<vmem>>
      %dma_wait3A_69 = tpu.memref_squeeze %dma_wait3A_68 : memref<1x125x64xf32, #tpu.memory_space<vmem>> -> memref<125x64xf32, #tpu.memory_space<vmem>>
      %dma_wait3A_70 = arith.constant 0 : i32
      %dma_wait3A_71 = tpu.memref_slice %arg7[%add3A_65, %dma_wait3A_70] : memref<160x125xi32, #tpu.memory_space<vmem>> -> memref<1x125xi32, #tpu.memory_space<vmem>>
      %dma_wait3A_72 = tpu.memref_squeeze %dma_wait3A_71 : memref<1x125xi32, #tpu.memory_space<vmem>> -> memref<125xi32, #tpu.memory_space<vmem>>
      %dma_wait3A_73 = arith.constant 0 : i32
      %dma_wait3A_74 = arith.constant 0 : i32
      %dma_wait3A_75 = tpu.memref_slice %arg2[%dma_wait3A_73, %dma_wait3A_74] : memref<20000x64xf32, #tpu.memory_space<hbm>> -> memref<20000x64xf32, #tpu.memory_space<hbm>>
      tpu.wait_indirect_dma semaphore(%arg11 : memref<!tpu.dma_semaphore, #tpu.memory_space<semaphore_mem>>) src(%dma_wait3A_75 : memref<20000x64xf32, #tpu.memory_space<hbm>>) dst(%dma_wait3A_69 : memref<125x64xf32, #tpu.memory_space<vmem>>)
      %run_scoped3A = arith.constant 0 : i32
      "tpu.region"() ({
        %run_scoped3A_149 = tpu.sem_alloc : memref<!tpu.dma_semaphore, #tpu.memory_space<semaphore_mem>>
        %dma_start3A_150 = arith.constant 0 : i32
        %dma_start3A_151 = arith.constant 0 : i32
        %dma_start3A_152 = tpu.memref_slice %arg9[%run_scoped3A, %dma_start3A_150, %dma_start3A_151] : memref<4x125x64xf32, #tpu.memory_space<vmem>> -> memref<1x125x64xf32, #tpu.memory_space<vmem>>
        %dma_start3A_153 = tpu.memref_squeeze %dma_start3A_152 : memref<1x125x64xf32, #tpu.memory_space<vmem>> -> memref<125x64xf32, #tpu.memory_space<vmem>>
        %dma_start3A_154 = arith.constant 0 : i32
        %dma_start3A_155 = tpu.memref_slice %arg8[%add3A_65, %dma_start3A_154] : memref<160x125xi32, #tpu.memory_space<vmem>> -> memref<1x125xi32, #tpu.memory_space<vmem>>
        %dma_start3A_156 = tpu.memref_squeeze %dma_start3A_155 : memref<1x125xi32, #tpu.memory_space<vmem>> -> memref<125xi32, #tpu.memory_space<vmem>>
        %dma_start3A_157 = arith.constant 0 : i32
        %dma_start3A_158 = arith.constant 0 : i32
        %dma_start3A_159 = tpu.memref_slice %arg10[%dma_start3A_157, %dma_start3A_158] : memref<10240x64xf32, #tpu.memory_space<vmem_shared>> -> memref<10240x64xf32, #tpu.memory_space<vmem_shared>>
        tpu.enqueue_indirect_dma source(%dma_start3A_153 : memref<125x64xf32, #tpu.memory_space<vmem>>) target(%dma_start3A_159 : memref<10240x64xf32, #tpu.memory_space<vmem_shared>>) offsets(%dma_start3A_156 : memref<125xi32, #tpu.memory_space<vmem>>) semaphore(%run_scoped3A_149 : memref<!tpu.dma_semaphore, #tpu.memory_space<semaphore_mem>>) {add = true}
        %dma_wait3A_160 = arith.constant 0 : i32
        %dma_wait3A_161 = arith.constant 0 : i32
        %dma_wait3A_162 = tpu.memref_slice %arg9[%run_scoped3A, %dma_wait3A_160, %dma_wait3A_161] : memref<4x125x64xf32, #tpu.memory_space<vmem>> -> memref<1x125x64xf32, #tpu.memory_space<vmem>>
        %dma_wait3A_163 = tpu.memref_squeeze %dma_wait3A_162 : memref<1x125x64xf32, #tpu.memory_space<vmem>> -> memref<125x64xf32, #tpu.memory_space<vmem>>
        %dma_wait3A_164 = arith.constant 0 : i32
        %dma_wait3A_165 = tpu.memref_slice %arg8[%add3A_65, %dma_wait3A_164] : memref<160x125xi32, #tpu.memory_space<vmem>> -> memref<1x125xi32, #tpu.memory_space<vmem>>
        %dma_wait3A_166 = tpu.memref_squeeze %dma_wait3A_165 : memref<1x125xi32, #tpu.memory_space<vmem>> -> memref<125xi32, #tpu.memory_space<vmem>>
        %dma_wait3A_167 = arith.constant 0 : i32
        %dma_wait3A_168 = arith.constant 0 : i32
        %dma_wait3A_169 = tpu.memref_slice %arg10[%dma_wait3A_167, %dma_wait3A_168] : memref<10240x64xf32, #tpu.memory_space<vmem_shared>> -> memref<10240x64xf32, #tpu.memory_space<vmem_shared>>
        tpu.wait_indirect_dma semaphore(%run_scoped3A_149 : memref<!tpu.dma_semaphore, #tpu.memory_space<semaphore_mem>>) src(%dma_wait3A_163 : memref<125x64xf32, #tpu.memory_space<vmem>>) dst(%dma_wait3A_169 : memref<10240x64xf32, #tpu.memory_space<vmem_shared>>)
        tpu.yield
      }) : () -> ()
      %add3A_76 = arith.constant 4 : i32
      %add3A_77 = arith.addi %add3A_65, %add3A_76 : i32
      %lt3A = arith.constant 160 : i32
      %lt3A_78 = arith.cmpi slt, %add3A_77, %lt3A : i32
      %convert_element_type3A = arith.extui %lt3A_78 : i1 to i32
      %cond3A = arith.constant 0 : i32
      %cond3A_79 = arith.cmpi ne, %convert_element_type3A, %cond3A : i32
      scf.if %cond3A_79 {
        %add3A_149 = arith.constant 4 : i32
        %add3A_150 = arith.addi %add3A_65, %add3A_149 : i32
        %dma_start3A_151 = arith.constant 0 : i32
        %dma_start3A_152 = arith.constant 0 : i32
        %dma_start3A_153 = arith.constant 0 : i32
        %dma_start3A_154 = tpu.memref_slice %arg9[%dma_start3A_151, %dma_start3A_152, %dma_start3A_153] : memref<4x125x64xf32, #tpu.memory_space<vmem>> -> memref<1x125x64xf32, #tpu.memory_space<vmem>>
        %dma_start3A_155 = tpu.memref_squeeze %dma_start3A_154 : memref<1x125x64xf32, #tpu.memory_space<vmem>> -> memref<125x64xf32, #tpu.memory_space<vmem>>
        %dma_start3A_156 = arith.constant 0 : i32
        %dma_start3A_157 = tpu.memref_slice %arg7[%add3A_150, %dma_start3A_156] : memref<160x125xi32, #tpu.memory_space<vmem>> -> memref<1x125xi32, #tpu.memory_space<vmem>>
        %dma_start3A_158 = tpu.memref_squeeze %dma_start3A_157 : memref<1x125xi32, #tpu.memory_space<vmem>> -> memref<125xi32, #tpu.memory_space<vmem>>
        %dma_start3A_159 = arith.constant 0 : i32
        %dma_start3A_160 = arith.constant 0 : i32
        %dma_start3A_161 = tpu.memref_slice %arg2[%dma_start3A_159, %dma_start3A_160] : memref<20000x64xf32, #tpu.memory_space<hbm>> -> memref<20000x64xf32, #tpu.memory_space<hbm>>
        tpu.enqueue_indirect_dma source(%dma_start3A_161 : memref<20000x64xf32, #tpu.memory_space<hbm>>) target(%dma_start3A_155 : memref<125x64xf32, #tpu.memory_space<vmem>>) offsets(%dma_start3A_158 : memref<125xi32, #tpu.memory_space<vmem>>) semaphore(%arg11 : memref<!tpu.dma_semaphore, #tpu.memory_space<semaphore_mem>>)
      } else {
      }
      %mul3A_80 = arith.constant 4 : i32
      %mul3A_81 = arith.muli %scan3A_62, %mul3A_80 : i32
      %add3A_82 = arith.constant 1 : i32
      %add3A_83 = arith.addi %mul3A_81, %add3A_82 : i32
      %dma_wait3A_84 = arith.constant 1 : i32
      %dma_wait3A_85 = arith.constant 0 : i32
      %dma_wait3A_86 = arith.constant 0 : i32
      %dma_wait3A_87 = tpu.memref_slice %arg9[%dma_wait3A_84, %dma_wait3A_85, %dma_wait3A_86] : memref<4x125x64xf32, #tpu.memory_space<vmem>> -> memref<1x125x64xf32, #tpu.memory_space<vmem>>
      %dma_wait3A_88 = tpu.memref_squeeze %dma_wait3A_87 : memref<1x125x64xf32, #tpu.memory_space<vmem>> -> memref<125x64xf32, #tpu.memory_space<vmem>>
      %dma_wait3A_89 = arith.constant 0 : i32
      %dma_wait3A_90 = tpu.memref_slice %arg7[%add3A_83, %dma_wait3A_89] : memref<160x125xi32, #tpu.memory_space<vmem>> -> memref<1x125xi32, #tpu.memory_space<vmem>>
      %dma_wait3A_91 = tpu.memref_squeeze %dma_wait3A_90 : memref<1x125xi32, #tpu.memory_space<vmem>> -> memref<125xi32, #tpu.memory_space<vmem>>
      %dma_wait3A_92 = arith.constant 0 : i32
      %dma_wait3A_93 = arith.constant 0 : i32
      %dma_wait3A_94 = tpu.memref_slice %arg2[%dma_wait3A_92, %dma_wait3A_93] : memref<20000x64xf32, #tpu.memory_space<hbm>> -> memref<20000x64xf32, #tpu.memory_space<hbm>>
      tpu.wait_indirect_dma semaphore(%arg12 : memref<!tpu.dma_semaphore, #tpu.memory_space<semaphore_mem>>) src(%dma_wait3A_94 : memref<20000x64xf32, #tpu.memory_space<hbm>>) dst(%dma_wait3A_88 : memref<125x64xf32, #tpu.memory_space<vmem>>)
      %run_scoped3A_95 = arith.constant 1 : i32
      "tpu.region"() ({
        %run_scoped3A_149 = tpu.sem_alloc : memref<!tpu.dma_semaphore, #tpu.memory_space<semaphore_mem>>
        %dma_start3A_150 = arith.constant 0 : i32
        %dma_start3A_151 = arith.constant 0 : i32
        %dma_start3A_152 = tpu.memref_slice %arg9[%run_scoped3A_95, %dma_start3A_150, %dma_start3A_151] : memref<4x125x64xf32, #tpu.memory_space<vmem>> -> memref<1x125x64xf32, #tpu.memory_space<vmem>>
        %dma_start3A_153 = tpu.memref_squeeze %dma_start3A_152 : memref<1x125x64xf32, #tpu.memory_space<vmem>> -> memref<125x64xf32, #tpu.memory_space<vmem>>
        %dma_start3A_154 = arith.constant 0 : i32
        %dma_start3A_155 = tpu.memref_slice %arg8[%add3A_83, %dma_start3A_154] : memref<160x125xi32, #tpu.memory_space<vmem>> -> memref<1x125xi32, #tpu.memory_space<vmem>>
        %dma_start3A_156 = tpu.memref_squeeze %dma_start3A_155 : memref<1x125xi32, #tpu.memory_space<vmem>> -> memref<125xi32, #tpu.memory_space<vmem>>
        %dma_start3A_157 = arith.constant 0 : i32
        %dma_start3A_158 = arith.constant 0 : i32
        %dma_start3A_159 = tpu.memref_slice %arg10[%dma_start3A_157, %dma_start3A_158] : memref<10240x64xf32, #tpu.memory_space<vmem_shared>> -> memref<10240x64xf32, #tpu.memory_space<vmem_shared>>
        tpu.enqueue_indirect_dma source(%dma_start3A_153 : memref<125x64xf32, #tpu.memory_space<vmem>>) target(%dma_start3A_159 : memref<10240x64xf32, #tpu.memory_space<vmem_shared>>) offsets(%dma_start3A_156 : memref<125xi32, #tpu.memory_space<vmem>>) semaphore(%run_scoped3A_149 : memref<!tpu.dma_semaphore, #tpu.memory_space<semaphore_mem>>) {add = true}
        %dma_wait3A_160 = arith.constant 0 : i32
        %dma_wait3A_161 = arith.constant 0 : i32
        %dma_wait3A_162 = tpu.memref_slice %arg9[%run_scoped3A_95, %dma_wait3A_160, %dma_wait3A_161] : memref<4x125x64xf32, #tpu.memory_space<vmem>> -> memref<1x125x64xf32, #tpu.memory_space<vmem>>
        %dma_wait3A_163 = tpu.memref_squeeze %dma_wait3A_162 : memref<1x125x64xf32, #tpu.memory_space<vmem>> -> memref<125x64xf32, #tpu.memory_space<vmem>>
        %dma_wait3A_164 = arith.constant 0 : i32
        %dma_wait3A_165 = tpu.memref_slice %arg8[%add3A_83, %dma_wait3A_164] : memref<160x125xi32, #tpu.memory_space<vmem>> -> memref<1x125xi32, #tpu.memory_space<vmem>>
        %dma_wait3A_166 = tpu.memref_squeeze %dma_wait3A_165 : memref<1x125xi32, #tpu.memory_space<vmem>> -> memref<125xi32, #tpu.memory_space<vmem>>
        %dma_wait3A_167 = arith.constant 0 : i32
        %dma_wait3A_168 = arith.constant 0 : i32
        %dma_wait3A_169 = tpu.memref_slice %arg10[%dma_wait3A_167, %dma_wait3A_168] : memref<10240x64xf32, #tpu.memory_space<vmem_shared>> -> memref<10240x64xf32, #tpu.memory_space<vmem_shared>>
        tpu.wait_indirect_dma semaphore(%run_scoped3A_149 : memref<!tpu.dma_semaphore, #tpu.memory_space<semaphore_mem>>) src(%dma_wait3A_163 : memref<125x64xf32, #tpu.memory_space<vmem>>) dst(%dma_wait3A_169 : memref<10240x64xf32, #tpu.memory_space<vmem_shared>>)
        tpu.yield
      }) : () -> ()
      %add3A_96 = arith.constant 4 : i32
      %add3A_97 = arith.addi %add3A_83, %add3A_96 : i32
      %lt3A_98 = arith.constant 160 : i32
      %lt3A_99 = arith.cmpi slt, %add3A_97, %lt3A_98 : i32
      %convert_element_type3A_100 = arith.extui %lt3A_99 : i1 to i32
      %cond3A_101 = arith.constant 0 : i32
      %cond3A_102 = arith.cmpi ne, %convert_element_type3A_100, %cond3A_101 : i32
      scf.if %cond3A_102 {
        %add3A_149 = arith.constant 4 : i32
        %add3A_150 = arith.addi %add3A_83, %add3A_149 : i32
        %dma_start3A_151 = arith.constant 1 : i32
        %dma_start3A_152 = arith.constant 0 : i32
        %dma_start3A_153 = arith.constant 0 : i32
        %dma_start3A_154 = tpu.memref_slice %arg9[%dma_start3A_151, %dma_start3A_152, %dma_start3A_153] : memref<4x125x64xf32, #tpu.memory_space<vmem>> -> memref<1x125x64xf32, #tpu.memory_space<vmem>>
        %dma_start3A_155 = tpu.memref_squeeze %dma_start3A_154 : memref<1x125x64xf32, #tpu.memory_space<vmem>> -> memref<125x64xf32, #tpu.memory_space<vmem>>
        %dma_start3A_156 = arith.constant 0 : i32
        %dma_start3A_157 = tpu.memref_slice %arg7[%add3A_150, %dma_start3A_156] : memref<160x125xi32, #tpu.memory_space<vmem>> -> memref<1x125xi32, #tpu.memory_space<vmem>>
        %dma_start3A_158 = tpu.memref_squeeze %dma_start3A_157 : memref<1x125xi32, #tpu.memory_space<vmem>> -> memref<125xi32, #tpu.memory_space<vmem>>
        %dma_start3A_159 = arith.constant 0 : i32
        %dma_start3A_160 = arith.constant 0 : i32
        %dma_start3A_161 = tpu.memref_slice %arg2[%dma_start3A_159, %dma_start3A_160] : memref<20000x64xf32, #tpu.memory_space<hbm>> -> memref<20000x64xf32, #tpu.memory_space<hbm>>
        tpu.enqueue_indirect_dma source(%dma_start3A_161 : memref<20000x64xf32, #tpu.memory_space<hbm>>) target(%dma_start3A_155 : memref<125x64xf32, #tpu.memory_space<vmem>>) offsets(%dma_start3A_158 : memref<125xi32, #tpu.memory_space<vmem>>) semaphore(%arg12 : memref<!tpu.dma_semaphore, #tpu.memory_space<semaphore_mem>>)
      } else {
      }
      %mul3A_103 = arith.constant 4 : i32
      %mul3A_104 = arith.muli %scan3A_62, %mul3A_103 : i32
      %add3A_105 = arith.constant 2 : i32
      %add3A_106 = arith.addi %mul3A_104, %add3A_105 : i32
      %dma_wait3A_107 = arith.constant 2 : i32
      %dma_wait3A_108 = arith.constant 0 : i32
      %dma_wait3A_109 = arith.constant 0 : i32
      %dma_wait3A_110 = tpu.memref_slice %arg9[%dma_wait3A_107, %dma_wait3A_108, %dma_wait3A_109] : memref<4x125x64xf32, #tpu.memory_space<vmem>> -> memref<1x125x64xf32, #tpu.memory_space<vmem>>
      %dma_wait3A_111 = tpu.memref_squeeze %dma_wait3A_110 : memref<1x125x64xf32, #tpu.memory_space<vmem>> -> memref<125x64xf32, #tpu.memory_space<vmem>>
      %dma_wait3A_112 = arith.constant 0 : i32
      %dma_wait3A_113 = tpu.memref_slice %arg7[%add3A_106, %dma_wait3A_112] : memref<160x125xi32, #tpu.memory_space<vmem>> -> memref<1x125xi32, #tpu.memory_space<vmem>>
      %dma_wait3A_114 = tpu.memref_squeeze %dma_wait3A_113 : memref<1x125xi32, #tpu.memory_space<vmem>> -> memref<125xi32, #tpu.memory_space<vmem>>
      %dma_wait3A_115 = arith.constant 0 : i32
      %dma_wait3A_116 = arith.constant 0 : i32
      %dma_wait3A_117 = tpu.memref_slice %arg2[%dma_wait3A_115, %dma_wait3A_116] : memref<20000x64xf32, #tpu.memory_space<hbm>> -> memref<20000x64xf32, #tpu.memory_space<hbm>>
      tpu.wait_indirect_dma semaphore(%arg13 : memref<!tpu.dma_semaphore, #tpu.memory_space<semaphore_mem>>) src(%dma_wait3A_117 : memref<20000x64xf32, #tpu.memory_space<hbm>>) dst(%dma_wait3A_111 : memref<125x64xf32, #tpu.memory_space<vmem>>)
      %run_scoped3A_118 = arith.constant 2 : i32
      "tpu.region"() ({
        %run_scoped3A_149 = tpu.sem_alloc : memref<!tpu.dma_semaphore, #tpu.memory_space<semaphore_mem>>
        %dma_start3A_150 = arith.constant 0 : i32
        %dma_start3A_151 = arith.constant 0 : i32
        %dma_start3A_152 = tpu.memref_slice %arg9[%run_scoped3A_118, %dma_start3A_150, %dma_start3A_151] : memref<4x125x64xf32, #tpu.memory_space<vmem>> -> memref<1x125x64xf32, #tpu.memory_space<vmem>>
        %dma_start3A_153 = tpu.memref_squeeze %dma_start3A_152 : memref<1x125x64xf32, #tpu.memory_space<vmem>> -> memref<125x64xf32, #tpu.memory_space<vmem>>
        %dma_start3A_154 = arith.constant 0 : i32
        %dma_start3A_155 = tpu.memref_slice %arg8[%add3A_106, %dma_start3A_154] : memref<160x125xi32, #tpu.memory_space<vmem>> -> memref<1x125xi32, #tpu.memory_space<vmem>>
        %dma_start3A_156 = tpu.memref_squeeze %dma_start3A_155 : memref<1x125xi32, #tpu.memory_space<vmem>> -> memref<125xi32, #tpu.memory_space<vmem>>
        %dma_start3A_157 = arith.constant 0 : i32
        %dma_start3A_158 = arith.constant 0 : i32
        %dma_start3A_159 = tpu.memref_slice %arg10[%dma_start3A_157, %dma_start3A_158] : memref<10240x64xf32, #tpu.memory_space<vmem_shared>> -> memref<10240x64xf32, #tpu.memory_space<vmem_shared>>
        tpu.enqueue_indirect_dma source(%dma_start3A_153 : memref<125x64xf32, #tpu.memory_space<vmem>>) target(%dma_start3A_159 : memref<10240x64xf32, #tpu.memory_space<vmem_shared>>) offsets(%dma_start3A_156 : memref<125xi32, #tpu.memory_space<vmem>>) semaphore(%run_scoped3A_149 : memref<!tpu.dma_semaphore, #tpu.memory_space<semaphore_mem>>) {add = true}
        %dma_wait3A_160 = arith.constant 0 : i32
        %dma_wait3A_161 = arith.constant 0 : i32
        %dma_wait3A_162 = tpu.memref_slice %arg9[%run_scoped3A_118, %dma_wait3A_160, %dma_wait3A_161] : memref<4x125x64xf32, #tpu.memory_space<vmem>> -> memref<1x125x64xf32, #tpu.memory_space<vmem>>
        %dma_wait3A_163 = tpu.memref_squeeze %dma_wait3A_162 : memref<1x125x64xf32, #tpu.memory_space<vmem>> -> memref<125x64xf32, #tpu.memory_space<vmem>>
        %dma_wait3A_164 = arith.constant 0 : i32
        %dma_wait3A_165 = tpu.memref_slice %arg8[%add3A_106, %dma_wait3A_164] : memref<160x125xi32, #tpu.memory_space<vmem>> -> memref<1x125xi32, #tpu.memory_space<vmem>>
        %dma_wait3A_166 = tpu.memref_squeeze %dma_wait3A_165 : memref<1x125xi32, #tpu.memory_space<vmem>> -> memref<125xi32, #tpu.memory_space<vmem>>
        %dma_wait3A_167 = arith.constant 0 : i32
        %dma_wait3A_168 = arith.constant 0 : i32
        %dma_wait3A_169 = tpu.memref_slice %arg10[%dma_wait3A_167, %dma_wait3A_168] : memref<10240x64xf32, #tpu.memory_space<vmem_shared>> -> memref<10240x64xf32, #tpu.memory_space<vmem_shared>>
        tpu.wait_indirect_dma semaphore(%run_scoped3A_149 : memref<!tpu.dma_semaphore, #tpu.memory_space<semaphore_mem>>) src(%dma_wait3A_163 : memref<125x64xf32, #tpu.memory_space<vmem>>) dst(%dma_wait3A_169 : memref<10240x64xf32, #tpu.memory_space<vmem_shared>>)
        tpu.yield
      }) : () -> ()
      %add3A_119 = arith.constant 4 : i32
      %add3A_120 = arith.addi %add3A_106, %add3A_119 : i32
      %lt3A_121 = arith.constant 160 : i32
      %lt3A_122 = arith.cmpi slt, %add3A_120, %lt3A_121 : i32
      %convert_element_type3A_123 = arith.extui %lt3A_122 : i1 to i32
      %cond3A_124 = arith.constant 0 : i32
      %cond3A_125 = arith.cmpi ne, %convert_element_type3A_123, %cond3A_124 : i32
      scf.if %cond3A_125 {
        %add3A_149 = arith.constant 4 : i32
        %add3A_150 = arith.addi %add3A_106, %add3A_149 : i32
        %dma_start3A_151 = arith.constant 2 : i32
        %dma_start3A_152 = arith.constant 0 : i32
        %dma_start3A_153 = arith.constant 0 : i32
        %dma_start3A_154 = tpu.memref_slice %arg9[%dma_start3A_151, %dma_start3A_152, %dma_start3A_153] : memref<4x125x64xf32, #tpu.memory_space<vmem>> -> memref<1x125x64xf32, #tpu.memory_space<vmem>>
        %dma_start3A_155 = tpu.memref_squeeze %dma_start3A_154 : memref<1x125x64xf32, #tpu.memory_space<vmem>> -> memref<125x64xf32, #tpu.memory_space<vmem>>
        %dma_start3A_156 = arith.constant 0 : i32
        %dma_start3A_157 = tpu.memref_slice %arg7[%add3A_150, %dma_start3A_156] : memref<160x125xi32, #tpu.memory_space<vmem>> -> memref<1x125xi32, #tpu.memory_space<vmem>>
        %dma_start3A_158 = tpu.memref_squeeze %dma_start3A_157 : memref<1x125xi32, #tpu.memory_space<vmem>> -> memref<125xi32, #tpu.memory_space<vmem>>
        %dma_start3A_159 = arith.constant 0 : i32
        %dma_start3A_160 = arith.constant 0 : i32
        %dma_start3A_161 = tpu.memref_slice %arg2[%dma_start3A_159, %dma_start3A_160] : memref<20000x64xf32, #tpu.memory_space<hbm>> -> memref<20000x64xf32, #tpu.memory_space<hbm>>
        tpu.enqueue_indirect_dma source(%dma_start3A_161 : memref<20000x64xf32, #tpu.memory_space<hbm>>) target(%dma_start3A_155 : memref<125x64xf32, #tpu.memory_space<vmem>>) offsets(%dma_start3A_158 : memref<125xi32, #tpu.memory_space<vmem>>) semaphore(%arg13 : memref<!tpu.dma_semaphore, #tpu.memory_space<semaphore_mem>>)
      } else {
      }
      %mul3A_126 = arith.constant 4 : i32
      %mul3A_127 = arith.muli %scan3A_62, %mul3A_126 : i32
      %add3A_128 = arith.constant 3 : i32
      %add3A_129 = arith.addi %mul3A_127, %add3A_128 : i32
      %dma_wait3A_130 = arith.constant 3 : i32
      %dma_wait3A_131 = arith.constant 0 : i32
      %dma_wait3A_132 = arith.constant 0 : i32
      %dma_wait3A_133 = tpu.memref_slice %arg9[%dma_wait3A_130, %dma_wait3A_131, %dma_wait3A_132] : memref<4x125x64xf32, #tpu.memory_space<vmem>> -> memref<1x125x64xf32, #tpu.memory_space<vmem>>
      %dma_wait3A_134 = tpu.memref_squeeze %dma_wait3A_133 : memref<1x125x64xf32, #tpu.memory_space<vmem>> -> memref<125x64xf32, #tpu.memory_space<vmem>>
      %dma_wait3A_135 = arith.constant 0 : i32
      %dma_wait3A_136 = tpu.memref_slice %arg7[%add3A_129, %dma_wait3A_135] : memref<160x125xi32, #tpu.memory_space<vmem>> -> memref<1x125xi32, #tpu.memory_space<vmem>>
      %dma_wait3A_137 = tpu.memref_squeeze %dma_wait3A_136 : memref<1x125xi32, #tpu.memory_space<vmem>> -> memref<125xi32, #tpu.memory_space<vmem>>
      %dma_wait3A_138 = arith.constant 0 : i32
      %dma_wait3A_139 = arith.constant 0 : i32
      %dma_wait3A_140 = tpu.memref_slice %arg2[%dma_wait3A_138, %dma_wait3A_139] : memref<20000x64xf32, #tpu.memory_space<hbm>> -> memref<20000x64xf32, #tpu.memory_space<hbm>>
      tpu.wait_indirect_dma semaphore(%arg14 : memref<!tpu.dma_semaphore, #tpu.memory_space<semaphore_mem>>) src(%dma_wait3A_140 : memref<20000x64xf32, #tpu.memory_space<hbm>>) dst(%dma_wait3A_134 : memref<125x64xf32, #tpu.memory_space<vmem>>)
      %run_scoped3A_141 = arith.constant 3 : i32
      "tpu.region"() ({
        %run_scoped3A_149 = tpu.sem_alloc : memref<!tpu.dma_semaphore, #tpu.memory_space<semaphore_mem>>
        %dma_start3A_150 = arith.constant 0 : i32
        %dma_start3A_151 = arith.constant 0 : i32
        %dma_start3A_152 = tpu.memref_slice %arg9[%run_scoped3A_141, %dma_start3A_150, %dma_start3A_151] : memref<4x125x64xf32, #tpu.memory_space<vmem>> -> memref<1x125x64xf32, #tpu.memory_space<vmem>>
        %dma_start3A_153 = tpu.memref_squeeze %dma_start3A_152 : memref<1x125x64xf32, #tpu.memory_space<vmem>> -> memref<125x64xf32, #tpu.memory_space<vmem>>
        %dma_start3A_154 = arith.constant 0 : i32
        %dma_start3A_155 = tpu.memref_slice %arg8[%add3A_129, %dma_start3A_154] : memref<160x125xi32, #tpu.memory_space<vmem>> -> memref<1x125xi32, #tpu.memory_space<vmem>>
        %dma_start3A_156 = tpu.memref_squeeze %dma_start3A_155 : memref<1x125xi32, #tpu.memory_space<vmem>> -> memref<125xi32, #tpu.memory_space<vmem>>
        %dma_start3A_157 = arith.constant 0 : i32
        %dma_start3A_158 = arith.constant 0 : i32
        %dma_start3A_159 = tpu.memref_slice %arg10[%dma_start3A_157, %dma_start3A_158] : memref<10240x64xf32, #tpu.memory_space<vmem_shared>> -> memref<10240x64xf32, #tpu.memory_space<vmem_shared>>
        tpu.enqueue_indirect_dma source(%dma_start3A_153 : memref<125x64xf32, #tpu.memory_space<vmem>>) target(%dma_start3A_159 : memref<10240x64xf32, #tpu.memory_space<vmem_shared>>) offsets(%dma_start3A_156 : memref<125xi32, #tpu.memory_space<vmem>>) semaphore(%run_scoped3A_149 : memref<!tpu.dma_semaphore, #tpu.memory_space<semaphore_mem>>) {add = true}
        %dma_wait3A_160 = arith.constant 0 : i32
        %dma_wait3A_161 = arith.constant 0 : i32
        %dma_wait3A_162 = tpu.memref_slice %arg9[%run_scoped3A_141, %dma_wait3A_160, %dma_wait3A_161] : memref<4x125x64xf32, #tpu.memory_space<vmem>> -> memref<1x125x64xf32, #tpu.memory_space<vmem>>
        %dma_wait3A_163 = tpu.memref_squeeze %dma_wait3A_162 : memref<1x125x64xf32, #tpu.memory_space<vmem>> -> memref<125x64xf32, #tpu.memory_space<vmem>>
        %dma_wait3A_164 = arith.constant 0 : i32
        %dma_wait3A_165 = tpu.memref_slice %arg8[%add3A_129, %dma_wait3A_164] : memref<160x125xi32, #tpu.memory_space<vmem>> -> memref<1x125xi32, #tpu.memory_space<vmem>>
        %dma_wait3A_166 = tpu.memref_squeeze %dma_wait3A_165 : memref<1x125xi32, #tpu.memory_space<vmem>> -> memref<125xi32, #tpu.memory_space<vmem>>
        %dma_wait3A_167 = arith.constant 0 : i32
        %dma_wait3A_168 = arith.constant 0 : i32
        %dma_wait3A_169 = tpu.memref_slice %arg10[%dma_wait3A_167, %dma_wait3A_168] : memref<10240x64xf32, #tpu.memory_space<vmem_shared>> -> memref<10240x64xf32, #tpu.memory_space<vmem_shared>>
        tpu.wait_indirect_dma semaphore(%run_scoped3A_149 : memref<!tpu.dma_semaphore, #tpu.memory_space<semaphore_mem>>) src(%dma_wait3A_163 : memref<125x64xf32, #tpu.memory_space<vmem>>) dst(%dma_wait3A_169 : memref<10240x64xf32, #tpu.memory_space<vmem_shared>>)
        tpu.yield
      }) : () -> ()
      %add3A_142 = arith.constant 4 : i32
      %add3A_143 = arith.addi %add3A_129, %add3A_142 : i32
      %lt3A_144 = arith.constant 160 : i32
      %lt3A_145 = arith.cmpi slt, %add3A_143, %lt3A_144 : i32
      %convert_element_type3A_146 = arith.extui %lt3A_145 : i1 to i32
      %cond3A_147 = arith.constant 0 : i32
      %cond3A_148 = arith.cmpi ne, %convert_element_type3A_146, %cond3A_147 : i32
      scf.if %cond3A_148 {
        %add3A_149 = arith.constant 4 : i32
        %add3A_150 = arith.addi %add3A_129, %add3A_149 : i32
        %dma_start3A_151 = arith.constant 3 : i32
        %dma_start3A_152 = arith.constant 0 : i32
        %dma_start3A_153 = arith.constant 0 : i32
        %dma_start3A_154 = tpu.memref_slice %arg9[%dma_start3A_151, %dma_start3A_152, %dma_start3A_153] : memref<4x125x64xf32, #tpu.memory_space<vmem>> -> memref<1x125x64xf32, #tpu.memory_space<vmem>>
        %dma_start3A_155 = tpu.memref_squeeze %dma_start3A_154 : memref<1x125x64xf32, #tpu.memory_space<vmem>> -> memref<125x64xf32, #tpu.memory_space<vmem>>
        %dma_start3A_156 = arith.constant 0 : i32
        %dma_start3A_157 = tpu.memref_slice %arg7[%add3A_150, %dma_start3A_156] : memref<160x125xi32, #tpu.memory_space<vmem>> -> memref<1x125xi32, #tpu.memory_space<vmem>>
        %dma_start3A_158 = tpu.memref_squeeze %dma_start3A_157 : memref<1x125xi32, #tpu.memory_space<vmem>> -> memref<125xi32, #tpu.memory_space<vmem>>
        %dma_start3A_159 = arith.constant 0 : i32
        %dma_start3A_160 = arith.constant 0 : i32
        %dma_start3A_161 = tpu.memref_slice %arg2[%dma_start3A_159, %dma_start3A_160] : memref<20000x64xf32, #tpu.memory_space<hbm>> -> memref<20000x64xf32, #tpu.memory_space<hbm>>
        tpu.enqueue_indirect_dma source(%dma_start3A_161 : memref<20000x64xf32, #tpu.memory_space<hbm>>) target(%dma_start3A_155 : memref<125x64xf32, #tpu.memory_space<vmem>>) offsets(%dma_start3A_158 : memref<125xi32, #tpu.memory_space<vmem>>) semaphore(%arg14 : memref<!tpu.dma_semaphore, #tpu.memory_space<semaphore_mem>>)
      } else {
      }
    }
    %scan3A_54 = arith.constant 40 : i32
    %barrier3A_55 = arith.constant 0 : index
    tpu.barrier barrier_id(%barrier3A_55)
    %mul3A_56 = arith.constant 640 : i32
    %mul3A_57 = arith.muli %arg1, %mul3A_56 : i32
    %mul3A_58 = arith.constant 640 : i32
    %mul3A_59 = arith.muli %arg1, %mul3A_58 : i32
    %mul3A_60 = arith.constant 64 : i32
    %mul3A_61 = arith.muli %arg0, %mul3A_60 : i32
    "tpu.region"() ({
      %run_scoped3A = tpu.sem_alloc : memref<!tpu.dma_semaphore, #tpu.memory_space<semaphore_mem>>
      %dma_start3A_62 = tpu.memref_slice %arg6[%mul3A_59, %mul3A_61] : memref<10240x128xf32, #tpu.memory_space<hbm>> -> memref<640x64xf32, #tpu.memory_space<hbm>>
      %dma_start3A_63 = arith.constant 0 : i32
      %dma_start3A_64 = tpu.memref_slice %arg10[%mul3A_57, %dma_start3A_63] : memref<10240x64xf32, #tpu.memory_space<vmem_shared>> -> memref<640x64xf32, #tpu.memory_space<vmem_shared>>
      tpu.enqueue_dma source(%dma_start3A_64 : memref<640x64xf32, #tpu.memory_space<vmem_shared>>) target(%dma_start3A_62 : memref<640x64xf32, #tpu.memory_space<hbm>>) target_semaphore(%run_scoped3A : memref<!tpu.dma_semaphore, #tpu.memory_space<semaphore_mem>>)
      %dma_wait3A = tpu.memref_slice %arg6[%mul3A_59, %mul3A_61] : memref<10240x128xf32, #tpu.memory_space<hbm>> -> memref<640x64xf32, #tpu.memory_space<hbm>>
      %dma_wait3A_65 = arith.constant 0 : i32
      %dma_wait3A_66 = tpu.memref_slice %arg10[%mul3A_57, %dma_wait3A_65] : memref<10240x64xf32, #tpu.memory_space<vmem_shared>> -> memref<640x64xf32, #tpu.memory_space<vmem_shared>>
      tpu.wait_dma2 semaphore(%run_scoped3A : memref<!tpu.dma_semaphore, #tpu.memory_space<semaphore_mem>>) src(%dma_wait3A_66 : memref<640x64xf32, #tpu.memory_space<vmem_shared>>) dst(%dma_wait3A : memref<640x64xf32, #tpu.memory_space<hbm>>)
      tpu.yield
    }) : () -> ()
    return
  }
}

module attributes {stable_mosaic.version = 14 : i64} {
  func.func @_layer1_body(%arg0: memref<10000x128xf32, #tpu.memory_space<vmem>>, %arg1: memref<10240x128xf32, #tpu.memory_space<vmem>>, %arg2: memref<128x32xf32, #tpu.memory_space<vmem>>, %arg3: memref<1x32xf32, #tpu.memory_space<vmem>>, %arg4: memref<32x32xf32, #tpu.memory_space<vmem>>, %arg5: memref<1x32xf32, #tpu.memory_space<vmem>>, %arg6: memref<1x32xf32, #tpu.memory_space<vmem>>, %arg7: memref<1x32xf32, #tpu.memory_space<vmem>>, %arg8: memref<10000x32xf32, #tpu.memory_space<vmem>>) attributes {dimension_semantics = [], scalar_prefetch = 0 : i64, scratch_operands = 0 : i64, tpu.core_type = #tpu.core_type<tc>} {
    %get3A = arith.constant 0 : index
    %get3A_0 = arith.constant 0 : index
    %get3A_1 = vector.load %arg0[%get3A, %get3A_0] : memref<10000x128xf32, #tpu.memory_space<vmem>>, vector<10000x128xf32>
    %get3A_2 = arith.constant 0 : index
    %get3A_3 = arith.constant 0 : index
    %get3A_4 = vector.load %arg1[%get3A_2, %get3A_3] : memref<10240x128xf32, #tpu.memory_space<vmem>>, vector<10000x128xf32>
    %add3A = arith.addf %get3A_1, %get3A_4 : vector<10000x128xf32>
    %get3A_5 = arith.constant 0 : index
    %get3A_6 = arith.constant 0 : index
    %get3A_7 = vector.load %arg2[%get3A_5, %get3A_6] : memref<128x32xf32, #tpu.memory_space<vmem>>, vector<128x32xf32>
    %dot_general3A = arith.constant dense<0.000000e+00> : vector<10000x32xf32>
    %dot_general3A_8 = tpu.matmul %add3A, %get3A_7, %dot_general3A {dimension_numbers = #tpu.dot_dimension_numbers<[1], [0], [0], [1], [0, 0, 1, 1], [], []>, transpose_lhs_hint = false} : vector<10000x128xf32>, vector<128x32xf32>, vector<10000x32xf32> -> vector<10000x32xf32>
    %get3A_9 = arith.constant 0 : index
    %get3A_10 = arith.constant 0 : index
    %get3A_11 = vector.load %arg3[%get3A_9, %get3A_10] : memref<1x32xf32, #tpu.memory_space<vmem>>, vector<1x32xf32>
    %add3A_12 = vector.broadcast %get3A_11 : vector<1x32xf32> to vector<10000x32xf32>
    %add3A_13 = arith.addf %dot_general3A_8, %add3A_12 : vector<10000x32xf32>
    %max3A = arith.constant 0.000000e+00 : f32
    %max3A_14 = vector.broadcast %max3A : f32 to vector<10000x32xf32>
    %max3A_15 = arith.maximumf %add3A_13, %max3A_14 : vector<10000x32xf32>
    %get3A_16 = arith.constant 0 : index
    %get3A_17 = arith.constant 0 : index
    %get3A_18 = vector.load %arg4[%get3A_16, %get3A_17] : memref<32x32xf32, #tpu.memory_space<vmem>>, vector<32x32xf32>
    %dot_general3A_19 = arith.constant dense<0.000000e+00> : vector<10000x32xf32>
    %dot_general3A_20 = tpu.matmul %max3A_15, %get3A_18, %dot_general3A_19 {dimension_numbers = #tpu.dot_dimension_numbers<[1], [0], [0], [1], [0, 0, 1, 1], [], []>, transpose_lhs_hint = false} : vector<10000x32xf32>, vector<32x32xf32>, vector<10000x32xf32> -> vector<10000x32xf32>
    %get3A_21 = arith.constant 0 : index
    %get3A_22 = arith.constant 0 : index
    %get3A_23 = vector.load %arg5[%get3A_21, %get3A_22] : memref<1x32xf32, #tpu.memory_space<vmem>>, vector<1x32xf32>
    %add3A_24 = vector.broadcast %get3A_23 : vector<1x32xf32> to vector<10000x32xf32>
    %add3A_25 = arith.addf %dot_general3A_20, %add3A_24 : vector<10000x32xf32>
    %max3A_26 = arith.constant 0.000000e+00 : f32
    %max3A_27 = vector.broadcast %max3A_26 : f32 to vector<10000x32xf32>
    %max3A_28 = arith.maximumf %add3A_25, %max3A_27 : vector<10000x32xf32>
    %get3A_29 = arith.constant 0 : index
    %get3A_30 = arith.constant 0 : index
    %get3A_31 = vector.load %arg6[%get3A_29, %get3A_30] : memref<1x32xf32, #tpu.memory_space<vmem>>, vector<1x32xf32>
    %get3A_32 = arith.constant 0 : index
    %get3A_33 = arith.constant 0 : index
    %get3A_34 = vector.load %arg7[%get3A_32, %get3A_33] : memref<1x32xf32, #tpu.memory_space<vmem>>, vector<1x32xf32>
    %reduce_sum3A = arith.constant dense<0.000000e+00> : vector<32xf32>
    %reduce_sum3A_35 = vector.multi_reduction <add>, %max3A_28, %reduce_sum3A [0] : vector<10000x32xf32> to vector<32xf32>
    %broadcast_in_dim3A = vector.shape_cast %reduce_sum3A_35 : vector<32xf32> to vector<1x32xf32>
    %div3A = arith.constant 1.000000e+04 : f32
    %div3A_36 = vector.broadcast %div3A : f32 to vector<1x32xf32>
    %div3A_37 = arith.divf %broadcast_in_dim3A, %div3A_36 : vector<1x32xf32>
    %sub3A = vector.broadcast %div3A_37 : vector<1x32xf32> to vector<10000x32xf32>
    %sub3A_38 = arith.subf %max3A_28, %sub3A : vector<10000x32xf32>
    %mul3A = arith.mulf %sub3A_38, %sub3A_38 : vector<10000x32xf32>
    %reduce_sum3A_39 = arith.constant dense<0.000000e+00> : vector<32xf32>
    %reduce_sum3A_40 = vector.multi_reduction <add>, %mul3A, %reduce_sum3A_39 [0] : vector<10000x32xf32> to vector<32xf32>
    %broadcast_in_dim3A_41 = vector.shape_cast %reduce_sum3A_40 : vector<32xf32> to vector<1x32xf32>
    %div3A_42 = arith.constant 1.000000e+04 : f32
    %div3A_43 = vector.broadcast %div3A_42 : f32 to vector<1x32xf32>
    %div3A_44 = arith.divf %broadcast_in_dim3A_41, %div3A_43 : vector<1x32xf32>
    %add3A_45 = arith.constant 9.99999974E-6 : f32
    %add3A_46 = vector.broadcast %add3A_45 : f32 to vector<1x32xf32>
    %add3A_47 = arith.addf %div3A_44, %add3A_46 : vector<1x32xf32>
    %rsqrt3A = math.rsqrt %add3A_47 : vector<1x32xf32>
    %mul3A_48 = vector.broadcast %rsqrt3A : vector<1x32xf32> to vector<10000x32xf32>
    %mul3A_49 = arith.mulf %sub3A_38, %mul3A_48 : vector<10000x32xf32>
    %mul3A_50 = vector.broadcast %get3A_31 : vector<1x32xf32> to vector<10000x32xf32>
    %mul3A_51 = arith.mulf %mul3A_49, %mul3A_50 : vector<10000x32xf32>
    %add3A_52 = vector.broadcast %get3A_34 : vector<1x32xf32> to vector<10000x32xf32>
    %add3A_53 = arith.addf %mul3A_51, %add3A_52 : vector<10000x32xf32>
    %swap3A = arith.constant 0 : index
    %swap3A_54 = arith.constant 0 : index
    %swap3A_55 = vector.load %arg8[%swap3A, %swap3A_54] : memref<10000x32xf32, #tpu.memory_space<vmem>>, vector<10000x32xf32>
    tpu.vector_store %arg8[%swap3A, %swap3A_54], %add3A_53 {strides = array<i32>} : memref<10000x32xf32, #tpu.memory_space<vmem>>, vector<10000x32xf32>,
    return
  }
}

module attributes {stable_mosaic.version = 14 : i64} {
  func.func @_layer2_body(%arg0: memref<10000x32xf32, #tpu.memory_space<vmem>>, %arg1: memref<2x10240x32xf32, #tpu.memory_space<vmem>>, %arg2: memref<32x32xf32, #tpu.memory_space<vmem>>, %arg3: memref<1x32xf32, #tpu.memory_space<vmem>>, %arg4: memref<32x128xf32, #tpu.memory_space<vmem>>, %arg5: memref<1x128xf32, #tpu.memory_space<vmem>>, %arg6: memref<1x128xf32, #tpu.memory_space<vmem>>, %arg7: memref<1x128xf32, #tpu.memory_space<vmem>>, %arg8: memref<10000x128xf32, #tpu.memory_space<vmem>>) attributes {dimension_semantics = [], scalar_prefetch = 0 : i64, scratch_operands = 0 : i64, tpu.core_type = #tpu.core_type<tc>} {
    %get3A = arith.constant 0 : index
    %get3A_0 = arith.constant 0 : index
    %get3A_1 = vector.load %arg0[%get3A, %get3A_0] : memref<10000x32xf32, #tpu.memory_space<vmem>>, vector<10000x32xf32>
    %get3A_2 = arith.constant 0 : index
    %get3A_3 = arith.constant 0 : index
    %get3A_4 = arith.constant 0 : index
    %get3A_5 = vector.load %arg1[%get3A_2, %get3A_3, %get3A_4] : memref<2x10240x32xf32, #tpu.memory_space<vmem>>, vector<1x10000x32xf32>
    %get3A_6 = vector.shape_cast %get3A_5 : vector<1x10000x32xf32> to vector<10000x32xf32>
    %add3A = arith.addf %get3A_1, %get3A_6 : vector<10000x32xf32>
    %get3A_7 = arith.constant 1 : index
    %get3A_8 = arith.constant 0 : index
    %get3A_9 = arith.constant 0 : index
    %get3A_10 = vector.load %arg1[%get3A_7, %get3A_8, %get3A_9] : memref<2x10240x32xf32, #tpu.memory_space<vmem>>, vector<1x10000x32xf32>
    %get3A_11 = vector.shape_cast %get3A_10 : vector<1x10000x32xf32> to vector<10000x32xf32>
    %add3A_12 = arith.addf %add3A, %get3A_11 : vector<10000x32xf32>
    %get3A_13 = arith.constant 0 : index
    %get3A_14 = arith.constant 0 : index
    %get3A_15 = vector.load %arg2[%get3A_13, %get3A_14] : memref<32x32xf32, #tpu.memory_space<vmem>>, vector<32x32xf32>
    %dot_general3A = arith.constant dense<0.000000e+00> : vector<10000x32xf32>
    %dot_general3A_16 = tpu.matmul %add3A_12, %get3A_15, %dot_general3A {dimension_numbers = #tpu.dot_dimension_numbers<[1], [0], [0], [1], [0, 0, 1, 1], [], []>, transpose_lhs_hint = false} : vector<10000x32xf32>, vector<32x32xf32>, vector<10000x32xf32> -> vector<10000x32xf32>
    %get3A_17 = arith.constant 0 : index
    %get3A_18 = arith.constant 0 : index
    %get3A_19 = vector.load %arg3[%get3A_17, %get3A_18] : memref<1x32xf32, #tpu.memory_space<vmem>>, vector<1x32xf32>
    %add3A_20 = vector.broadcast %get3A_19 : vector<1x32xf32> to vector<10000x32xf32>
    %add3A_21 = arith.addf %dot_general3A_16, %add3A_20 : vector<10000x32xf32>
    %max3A = arith.constant 0.000000e+00 : f32
    %max3A_22 = vector.broadcast %max3A : f32 to vector<10000x32xf32>
    %max3A_23 = arith.maximumf %add3A_21, %max3A_22 : vector<10000x32xf32>
    %get3A_24 = arith.constant 0 : index
    %get3A_25 = arith.constant 0 : index
    %get3A_26 = vector.load %arg4[%get3A_24, %get3A_25] : memref<32x128xf32, #tpu.memory_space<vmem>>, vector<32x128xf32>
    %dot_general3A_27 = arith.constant dense<0.000000e+00> : vector<10000x128xf32>
    %dot_general3A_28 = tpu.matmul %max3A_23, %get3A_26, %dot_general3A_27 {dimension_numbers = #tpu.dot_dimension_numbers<[1], [0], [0], [1], [0, 0, 1, 1], [], []>, transpose_lhs_hint = false} : vector<10000x32xf32>, vector<32x128xf32>, vector<10000x128xf32> -> vector<10000x128xf32>
    %get3A_29 = arith.constant 0 : index
    %get3A_30 = arith.constant 0 : index
    %get3A_31 = vector.load %arg5[%get3A_29, %get3A_30] : memref<1x128xf32, #tpu.memory_space<vmem>>, vector<1x128xf32>
    %add3A_32 = vector.broadcast %get3A_31 : vector<1x128xf32> to vector<10000x128xf32>
    %add3A_33 = arith.addf %dot_general3A_28, %add3A_32 : vector<10000x128xf32>
    %max3A_34 = arith.constant 0.000000e+00 : f32
    %max3A_35 = vector.broadcast %max3A_34 : f32 to vector<10000x128xf32>
    %max3A_36 = arith.maximumf %add3A_33, %max3A_35 : vector<10000x128xf32>
    %get3A_37 = arith.constant 0 : index
    %get3A_38 = arith.constant 0 : index
    %get3A_39 = vector.load %arg6[%get3A_37, %get3A_38] : memref<1x128xf32, #tpu.memory_space<vmem>>, vector<1x128xf32>
    %get3A_40 = arith.constant 0 : index
    %get3A_41 = arith.constant 0 : index
    %get3A_42 = vector.load %arg7[%get3A_40, %get3A_41] : memref<1x128xf32, #tpu.memory_space<vmem>>, vector<1x128xf32>
    %reduce_sum3A = arith.constant dense<0.000000e+00> : vector<128xf32>
    %reduce_sum3A_43 = vector.multi_reduction <add>, %max3A_36, %reduce_sum3A [0] : vector<10000x128xf32> to vector<128xf32>
    %broadcast_in_dim3A = vector.shape_cast %reduce_sum3A_43 : vector<128xf32> to vector<1x128xf32>
    %div3A = arith.constant 1.000000e+04 : f32
    %div3A_44 = vector.broadcast %div3A : f32 to vector<1x128xf32>
    %div3A_45 = arith.divf %broadcast_in_dim3A, %div3A_44 : vector<1x128xf32>
    %sub3A = vector.broadcast %div3A_45 : vector<1x128xf32> to vector<10000x128xf32>
    %sub3A_46 = arith.subf %max3A_36, %sub3A : vector<10000x128xf32>
    %mul3A = arith.mulf %sub3A_46, %sub3A_46 : vector<10000x128xf32>
    %reduce_sum3A_47 = arith.constant dense<0.000000e+00> : vector<128xf32>
    %reduce_sum3A_48 = vector.multi_reduction <add>, %mul3A, %reduce_sum3A_47 [0] : vector<10000x128xf32> to vector<128xf32>
    %broadcast_in_dim3A_49 = vector.shape_cast %reduce_sum3A_48 : vector<128xf32> to vector<1x128xf32>
    %div3A_50 = arith.constant 1.000000e+04 : f32
    %div3A_51 = vector.broadcast %div3A_50 : f32 to vector<1x128xf32>
    %div3A_52 = arith.divf %broadcast_in_dim3A_49, %div3A_51 : vector<1x128xf32>
    %add3A_53 = arith.constant 9.99999974E-6 : f32
    %add3A_54 = vector.broadcast %add3A_53 : f32 to vector<1x128xf32>
    %add3A_55 = arith.addf %div3A_52, %add3A_54 : vector<1x128xf32>
    %rsqrt3A = math.rsqrt %add3A_55 : vector<1x128xf32>
    %mul3A_56 = vector.broadcast %rsqrt3A : vector<1x128xf32> to vector<10000x128xf32>
    %mul3A_57 = arith.mulf %sub3A_46, %mul3A_56 : vector<10000x128xf32>
    %mul3A_58 = vector.broadcast %get3A_39 : vector<1x128xf32> to vector<10000x128xf32>
    %mul3A_59 = arith.mulf %mul3A_57, %mul3A_58 : vector<10000x128xf32>
    %add3A_60 = vector.broadcast %get3A_42 : vector<1x128xf32> to vector<10000x128xf32>
    %add3A_61 = arith.addf %mul3A_59, %add3A_60 : vector<10000x128xf32>
    %swap3A = arith.constant 0 : index
    %swap3A_62 = arith.constant 0 : index
    %swap3A_63 = vector.load %arg8[%swap3A, %swap3A_62] : memref<10000x128xf32, #tpu.memory_space<vmem>>, vector<10000x128xf32>
    tpu.vector_store %arg8[%swap3A, %swap3A_62], %add3A_61 {strides = array<i32>} : memref<10000x128xf32, #tpu.memory_space<vmem>>, vector<10000x128xf32>,
    return
  }
}

</mosaic_0001>

<sc_bundles>
// kernel: kernel.6.cloned.1.call-start
scs
__scs_entry_jumppad:
0x0: {  	(pc) =	sbr.rel $0x88, $3  }
0x1: {  	(tag) =	ssettag $0x0;
	lr =	simm.s32 $0x1  }
0x2: {  	[smem:$0x3F93] =	sst lr;
	_ =	strace $0xD0000000  }
0x3: {  	_ = 	snop  }
0x4: {  	_ = 	snop  }
0x5: {  	_ = 	snop  }
0x6: {  	_ = 	snop  }
0x7: {  	_ = 	snop  }
__scs_overlays_trampoline_lowered:
0x8: {  	[smem:$0x3FA2] =	sst s0  }
0x9: {  	[smem:$0x3FA3] =	sst s1  }
0xa: {  	[smem:$0x3FA4] =	sst s2  }
0xb: {  	[smem:$0x3FA5] =	sst s3  }
0xc: {  	[smem:$0x3FA6] =	sst s4  }
0xd: {  	[smem:$0x3FA7] =	sst s5  }
0xe: {  	[smem:$0x3FA8] =	sst s6  }
0xf: {  	[smem:$0x3FA9] =	sst s7  }
0x10: {  	[smem:$0x3FAA] =	sst s8  }
0x11: {  	[smem:$0x3FAB] =	sst s9;
	s0 =	simm.s32 @!p0 $0x0  }
0x12: {  	s1 =	sld [smem:$0x3F91];
	s0 =	simm.s32 @p0 $0x1  }
0x13: {  	[smem:$0x3FAC] =	sst s0;
	s0 =	simm.s32 @!p1 $0x0  }
0x14: {  	s2 =	sld [smem:$0x3F90];
	s0 =	simm.s32 @p1 $0x1  }
0x15: {  	[smem:$0x3FAD] =	sst s0;
	s0 =	simm.s32 @!p2 $0x0  }
0x16: {  	s3 =	sld [smem:$0x3FDB];
	s0 =	simm.s32 @p2 $0x1  }
0x17: {  	s4 =	simm.s32 $0x1BF5;
	[smem:$0x3FAF] =	sst s0  }
0x18: {  	s0 =	sld [smem:$0x3F92];
	_ =	swait.ge [sflag:s4], $0x0  }
0x19: {  	s7 =	sld [smem:$0x3F93]  }
0x1a: {  	s8 =	sadd.s32 $0xFFFFE003, lr  }
0x1b: {  	s9 =	sadd.s32 $0xFFFFFEF7, lr;
	s5 =	simm.s32 $0xFFFFFFFF;
	p2 =	slt.u32 s8, $0xFFFFF086  }
0x1c: {  	p1 =	slt.u32 s9, $0xF7A;
	s5 =	simm.s32 @!p2 $0x0  }
0x1d: {  	s5 =	simm.s32 @p1 $0x1;
	p0 =	seq.s32 s7, s2  }
0x1e: {  	s7 =	smul.u32 @!p0 $0xF7A, s2;
	p2 =	seq.s32 @!p0 s5, $0x0  }
0x1f: {  	s9 =	smul.u32 $0xF7A, s1;
	s8 =	simm.s32 @!p0 $0x1BF5;
	p2 =	por !p2, p0  }
0x20: {  	[sflag:s8] =	ssyncset.s32 @!p0 $0xFFFFF086;
	s6 =	sadd.s32 @!p0 s3, s7;
	s7 =	simm.s32 @!p0 $0x108  }
0x21: {  	s3 =	sadd.s32 s3, s9;
	s6 =	sadd.s32 @!p0 $0x88, s6;
	s7 =	simm.s32 @p2 $0x1082  }
0x22: {  	[simem:s7], [sflag:s8] =	dma.local @!p0 [hbm:s6], $0xF7A  }
0x23: {  	s9 =	sor.u32 $0xD0000000, s2;
	s6 =	simm.s32 $0x108;
	_ =	swait.ge @!p0 [sflag:s8], $0x0  }
0x24: {  	s3 =	sadd.s32 $0x88, s3;
	s6 =	simm.s32 @!p1 $0x1082;
	[sflag:s4] =	ssyncset.s32 $0xFFFFF086  }
0x25: {  	[simem:s6], [sflag:s4] =	dma.local [hbm:s3], $0xF7A  }
0x26: {  	[smem:$0x3F93] =	sst s1;
	(tag) =	ssettag s2;
	_ =	strace s9  }
0x27: {  	s1 =	sld [smem:$0x3FA3]  }
0x28: {  	s2 =	sld [smem:$0x3FA4]  }
0x29: {  	s4 =	sld [smem:$0x3FA6]  }
0x2a: {  	p0 =	seq.s32 s5, $0x0;
	s5 =	sld [smem:$0x3FA7]  }
0x2b: {  	s6 =	sld [smem:$0x3FA8]  }
0x2c: {  	s7 =	sld [smem:$0x3FA9]  }
0x2d: {  	s3 =	simm.s32 $0x108;
	s8 =	sld [smem:$0x3FAA]  }
0x2e: {  	s3 =	simm.s32 @!p0 $0x1082;
	s9 =	sld [smem:$0x3FAB]  }
0x2f: {  	lr =	sadd.s32 s0, s3;
	s0 =	sld [smem:$0x3FA2]  }
0x30: {  	s3 =	sld [smem:$0x3FA5]  }
0x31: {  	[smem:$0x3FAE] =	sst s10  }
0x32: {  	s10 =	sld [smem:$0x3FAC];
	_ =	sdelay $0x3  }
0x33: {  	p0 =	seq.s32 s10, $0x1;
	s10 =	sld [smem:$0x3FAE];
	_ =	sdelay $0x3  }
0x34: {  	[smem:$0x3FAE] =	sst s10  }
0x35: {  	s10 =	sld [smem:$0x3FAD];
	_ =	sdelay $0x3  }
0x36: {  	p1 =	seq.s32 s10, $0x1;
	s10 =	sld [smem:$0x3FAE];
	_ =	sdelay $0x3  }
0x37: {  	[smem:$0x3FAE] =	sst s10  }
0x38: {  	s10 =	sld [smem:$0x3FAF]  }
0x39: {  	_ = 	snop;
	(pc) =	sbr.ind lr, $3  }
0x3a: {  	_ = 	snop  }
0x3b: {  	_ = 	snop  }
0x3c: {  	p2 =	seq.s32 s10, $0x1;
	s10 =	sld [smem:$0x3FAE]  }
0x3d: {  	_ =	shalt  }
0x3e: {  	_ =	shalt  }
0x3f: {  	_ =	shalt  }
0x40: {  	_ =	shalt  }
0x41: {  	_ =	shalt  }
0x42: {  	_ =	shalt  }
0x43: {  	_ =	shalt  }
0x44: {  	_ =	shalt  }
0x45: {  	_ =	shalt  }
0x46: {  	_ =	shalt  }
0x47: {  	_ =	shalt  }
0x48: {  	_ =	shalt  }
0x49: {  	_ =	shalt  }
0x4a: {  	_ =	shalt  }
0x4b: {  	_ =	shalt  }
0x4c: {  	_ =	shalt  }
0x4d: {  	_ =	shalt  }
0x4e: {  	_ =	shalt  }
0x4f: {  	_ =	shalt  }
0x50: {  	_ =	shalt  }
0x51: {  	_ =	shalt  }
0x52: {  	_ =	shalt  }
0x53: {  	_ =	shalt  }
0x54: {  	_ =	shalt  }
0x55: {  	_ =	shalt  }
0x56: {  	_ =	shalt  }
0x57: {  	_ =	shalt  }
0x58: {  	_ =	shalt  }
0x59: {  	_ =	shalt  }
0x5a: {  	_ =	shalt  }
0x5b: {  	_ =	shalt  }
0x5c: {  	_ =	shalt  }
0x5d: {  	_ =	shalt  }
0x5e: {  	_ =	shalt  }
0x5f: {  	_ =	shalt  }
0x60: {  	_ =	shalt  }
0x61: {  	_ =	shalt  }
0x62: {  	_ =	shalt  }
0x63: {  	_ =	shalt  }
0x64: {  	_ =	shalt  }
0x65: {  	_ =	shalt  }
0x66: {  	_ =	shalt  }
0x67: {  	_ =	shalt  }
0x68: {  	_ =	shalt  }
0x69: {  	_ =	shalt  }
0x6a: {  	_ =	shalt  }
0x6b: {  	_ =	shalt  }
0x6c: {  	_ =	shalt  }
0x6d: {  	_ =	shalt  }
0x6e: {  	_ =	shalt  }
0x6f: {  	_ =	shalt  }
0x70: {  	_ =	shalt  }
0x71: {  	_ =	shalt  }
0x72: {  	_ =	shalt  }
0x73: {  	_ =	shalt  }
0x74: {  	_ =	shalt  }
0x75: {  	_ =	shalt  }
0x76: {  	_ =	shalt  }
0x77: {  	_ =	shalt  }
0x78: {  	_ =	shalt  }
0x79: {  	_ =	shalt  }
0x7a: {  	_ =	shalt  }
0x7b: {  	_ =	shalt  }
0x7c: {  	_ =	shalt  }
0x7d: {  	_ =	shalt  }
0x7e: {  	_ =	shalt  }
0x7f: {  	_ =	shalt  }
0x80: {  	_ =	shalt  }
0x81: {  	_ =	shalt  }
0x82: {  	_ =	shalt  }
0x83: {  	_ =	shalt  }
0x84: {  	_ =	shalt  }
0x85: {  	_ =	shalt  }
0x86: {  	_ =	shalt  }
0x87: {  	_ =	shalt  }
.Lfunc_end0:
.L_simem_size_0:
called_computation_lowered:
.L_overlay_start_0:
0x88: {  	s2 =	sld [smem:$0x3FD9]  }
0x89: {  	s3 =	sld [smem:$0x3FFE];
	_ =	sdelay $0x1  }
0x8a: {  	s1 =	srdreg.scid  }
0x8b: {  	s0 =	sand.u32 $0x1, s1  }
0x8c: {  	s17 =	sshll.u32 s0, $0xA;
	s2 =	sadd.s32 s3, s2  }
0x8d: {  	s2 =	sadd.s32 s2, s17  }
0x8e: {  	[smem:$0x3FBA] =	sst s2  }
0x8f: {  	_ = 	snop  }
0x90: {  	s2 =	sld [smem:$0x3FC9]  }
0x91: {  	s18 =	sld [smem:$0x3FD0];
	(tm) =	ssettm $0x1  }
0x92: {  	s4 =	sld [smem:$0x3FFB];
	_ =	sdelay $0x3  }
0x93: {  	_ =	strace s4  }
0x94: {  	s4 =	sld [smem:$0x3FFC];
	_ =	sdelay $0x3  }
0x95: {  	_ =	strace s4  }
0x96: {  	s4 =	sld [smem:$0x3FFD];
	_ =	sdelay $0x3  }
0x97: {  	_ =	strace s4  }
0x98: {  	_ =	strace $0x8FFFFFFF  }
0x99: {  	s19 =	sld [smem:$0x3FDB];
	_ =	sdelay $0x1  }
0x9a: {  	s5 =	simm.s32 $_scs_section_size  }
0x9b: {  	s6 =	simm.s32 $_size__tile_overlayer_lowered;
	s7 =	simm.s32 $_tile_overlayer_lowered  }
0x9c: {  	s22 =	simm.s32 $0x1BFF;
	s21 =	sshll.u32 s7, $0x1;
	s4 =	sadd.s32 s5, s19  }
0x9d: {  	s8 =	simm.s32 $0x0;
	s20 =	sshll.u32 s6, $0x1;
	s6 =	sadd.s32 s21, s4  }
0x9e: {  	[timem:s8], [sflag:s22] =	dma.local [hbm:s6], s20  }
0x9f: {  	_ =	swait.ge [sflag:s22], s20  }
0xa0: {  	s5 =	ssub.s32 $0x0, s20;
	[sflag:s22] =	ssyncset.done $0x0  }
0xa1: {  	[sflag:s22] =	ssyncadd.s32 s5;
	_ =	sdelay $0x1  }
0xa2: {  	s23 =	simm.s32 $0x1B8B  }
0xa3: {  	_ =	swait.ge [sflag:s23], $0x1  }
0xa4: {  	[sflag:s23] =	ssyncset.done $0x0  }
0xa5: {  	s25 =	simm.s32 $0x1B8E;
	s24 =	sld [smem:$0x3FFE];
	[sflag:s23] =	ssyncadd.s32 $0xFFFFFFFF  }
0xa6: {  	s26 =	simm.s32 $execute0_lowered;
	[smem:$0x3FD2] =	sst s25  }
0xa7: {  	s6 =	sshll.u32 s26, $0x1;
	_ =	strace $0x80000046;
	[dreg:$0x1] =	wrdreg $0xFFFFFFFF  }
0xa8: {  	s28 =	simm.s32 $_size_execute0_lowered;
	s4 =	sadd.s32 s4, s6;
	[dreg:$0x0] =	wrdreg $0x0  }
0xa9: {  	s6 =	sshll.u32 s28, $0x1;
	[dreg:$0x2] =	wrdreg s4  }
0xaa: {  	[dreg:$0x3] =	wrdreg s6  }
0xab: {  	[dreg:$0x4] =	wrdreg $0xC0  }
0xac: {  	_ =	task [dreg:s8], $0x5FFFF  }
0xad: {  	[dreg:$0x1] =	wrdreg $0xFFFFFFFF  }
0xae: {  	[dreg:$0x0] =	wrdreg $0x60  }
0xaf: {  	[dreg:$0x2] =	wrdreg s2  }
0xb0: {  	[dreg:$0x3] =	wrdreg s18  }
0xb1: {  	[dreg:$0x4] =	wrdreg s24  }
0xb2: {  	[dreg:$0x5] =	wrdreg $0x11D000  }
0xb3: {  	[dreg:$0x6] =	wrdreg $0x9  }
0xb4: {  	_ =	task.clear_ibuf [dreg:s8], $0x7FFFF;
	_ =	strace $0x90000046  }
0xb5: {  	s29 =	simm.s32 $0x9;
	_ =	strace $0x80000048  }
0xb6: {  	_ =	swait.ge [sflag:s29], $0x1  }
0xb7: {  	[sflag:s29] =	ssyncadd.s32 $0xFFFFFFFF  }
0xb8: {  	_ =	strace $0x90000048  }
0xb9: {  	_ =	sfence  }
0xba: {  	s30 =	sld [smem:$0x0];
	_ =	sdelay $0x2  }
0xbb: {  	s31 =	sshll.u32 s1, $0xD;
	s1 =	sshrl.u32 s1, $0x2  }
0xbc: {  	s3 =	sand.u32 $0x4000, s31;
	s1 =	sadd.s32 s1, s30  }
0xbd: {  	s0 =	sor.u32 s3, s0;
	s1 =	sshll.u32 s1, $0x11  }
0xbe: {  	s0 =	sor.u32 s1, s0  }
0xbf: {  	s0 =	sadd.s32 $0x8F2B, s0  }
0xc0: {  	[sflag:s0] =	ssyncadd.remote.s32 $0x1  }
0xc1: {  	_ =	sfence.sel $0xFFFF  }
0xc2: {  	[dreg:$0x0] =	wrdreg $0xFFFFFFFF;
	(pc) =	sbr.abs _section_cstart, $3  }
0xc3: {  	[dreg:$0x1] =	wrdreg $0xFFFFFFFF  }
0xc4: {  	_ =	task.clear_ibuf [dreg:s8], $0x2FFFF;
	_ =	strace $0x9FFFFFFF  }
0xc5: {  	(tm) =	ssettm $0x7FFFFFFF  }
tec
execute0_lowered:
.L_overlay_start_1:
0x0: {  	(tag) =	ssettag $0x1  }
0x1: {  	s1 =	rddreg [dreg:$0x0]  }
0x2: {  	s0 =	rddreg [dreg:$0x1]  }
0x3: {  	s2 =	rddreg [dreg:$0x2]  }
0x4: {  	s3 =	rddreg [dreg:$0x3];
	s4 =	simm.s32 $0x0;
	s14 =	stileid.u32  }
0x5: {  	s8 =	srdreg.scid;
	s13 =	simm.s32 $0xA000;
	s15 =	simm.s32 $0xBF40  }
0x6: {  	s17 =	simm.s32 $0xDE80;
	s18 =	simm.s32 $0x180;
	s19 =	simm.s32 $0xFDC0  }
0x7: {  	s22 =	simm.s32 $0x1;
	s28 =	simm.s32 $0x9E80;
	s29 =	simm.s32 $0x9F00  }
0x8: {  	s30 =	simm.s32 $0x9F80;
	s31 =	simm.s32 $0x10;
	s5 =	smul.u32 $0x5000, s14  }
0x9: {  	[smem:$0x7FF] =	sst s4;
	s7 =	smul.u32 $0xA000, s14;
	s8 =	sand.u32 $0x1, s8  }
0xa: {  	s9 =	smul.u32 $0x14000, s14;
	s26 =	sshll.u32 s14, $0x6;
	_ =	strace $0x80000047  }
0xb: {  	s11 =	sshll.u32 s8, $0x6;
	s12 =	smul.u32 $0x50000, s8;
	s8 =	ssub.s32 $0x2, s8  }
0xc: {  	s20 =	sor.u32 $0x1C05, s26;
	s26 =	simm.s32 $0x9E00;
	s6 =	sshrl.u32 s5, $0x3  }
0xd: {  	s10 =	sshrl.u32 s7, $0x3;
	s9 =	sor.u32 s11, s9;
	s23 =	sshrl.u32 s8, $0x1  }
0xe: {  	s25 =	sadd.s32 s7, s3;
	s6 =	sadd.s32 s6, s2;
	s10 =	sadd.s32 s10, s2  }
0xf: {  	s9 =	sshrl.u32 s9, $0x3;
	s5 =	sadd.s32 s5, s12;
	s24 =	ssub.s32 s8, s23  }
0x10: {  	s12 =	simm.s32 $0x7D;
	s21 =	sshrl.u32 s25, $0x3;
	s23 =	simm.s32 $0x2  }
0x11: {  	s25 =	simm.s32 $0x4;
	s2 =	sadd.s32 s9, s2;
	s5 =	sshrl.u32 s5, $0x3  }
0x12: {  	s6 =	sadd.s32 $0x1C00, s6;
	s7 =	sadd.s32 $0xBC00, s10;
	s9 =	smax.u32 s24, $0x1  }
0x13: {  	s10 =	simm.s32 $0x5;
	s24 =	simm.s32 $0x3;
	s5 =	sadd.s32 s0, s5  }
0x14: {  	s8 =	sadd.s32 $0x1FC00, s2;
	s0 =	simm.s32 $0x8;
	s2 =	simm.s32 $0x0  }
.LBB2_1:
0x15: {  	[tilespmem:s4], [sflag:$0x5] =	stream.linear.gather [hbm4b:s5+s4], $0x5000, $0x38;
	[tilespmem:$0x1BD00] =	vst v63  }
0x16: {  	_ =	swait.ge [sflag:s10], $0x5000  }
0x17: {  	[sflag:s10] =	ssyncset.done $0x0  }
0x18: {  	s11 =	simm.s32 $0x5000;
	[sflag:s10] =	ssyncadd.s32 $0xFFFFB000  }
0x19: {  	[tilespmem:s11], [sflag:$0x5] =	stream.linear.gather [hbm4b:s6+s4], $0x5000, $0x38;
	[tilespmem:$0x1BD00] =	vst v63  }
0x1a: {  	_ =	swait.ge [sflag:s10], $0x5000  }
0x1b: {  	[sflag:s10] =	ssyncset.done $0x0  }
0x1c: {  	[sflag:s10] =	ssyncadd.s32 $0xFFFFB000  }
0x1d: {  	[tilespmem:s13], [sflag:$0x1] =	stream.indirect.gather [hbm4b:s1+s12], $0x40, s4, s12, $0xb8;
	[tilespmem:$0x1BD00] =	vst v63  }
0x1e: {  	s16 =	simm.s32 $0x80  }
0x1f: {  	[tilespmem:s15], [sflag:$0x2] =	stream.indirect.gather [hbm4b:s1+s12], $0x40, s16, s12, $0xb8;
	[tilespmem:$0x1BD00] =	vst v63  }
0x20: {  	s14 =	simm.s32 $0x100  }
0x21: {  	[tilespmem:s17], [sflag:$0x3] =	stream.indirect.gather [hbm4b:s1+s12], $0x40, s14, s12, $0xb8;
	[tilespmem:$0x1BD00] =	vst v63  }
0x22: {  	_ = 	snop  }
0x23: {  	[tilespmem:s19], [sflag:$0x4] =	stream.indirect.gather [hbm4b:s1+s12], $0x40, s18, s12, $0xb8;
	[tilespmem:$0x1BD00] =	vst v63  }
0x24: {  	[spmem:s21], [sflag:s20] =	dma.local [hbm:s7], $0x1400  }
0x25: {  	_ =	swait.ge [sflag:s10], $0x1400  }
0x26: {  	[sflag:s10] =	ssyncset.done $0x0  }
0x27: {  	[sflag:s10] =	ssyncadd.s32 $0xFFFFEC00  }
0x28: {  	[bflag:$0x0] =	sbarrier.arrive $0xFFFF  }
0x29: {  	_ =	swait.ge [sflag:s22], $0x1F40  }
0x2a: {  	[sflag:s22] =	ssyncset.done $0x0  }
0x2b: {  	s16 =	simm.s32 $0x5000;
	[sflag:s22] =	ssyncadd.s32 $0xFFFFE0C0  }
0x2c: {  	[spmem:s3] =	stream.indirect.scatter.add.f32 [tilespmem:s13], [sflag:$0x5], $0x40, s16, s12, $0xb8;
	[tilespmem:$0x1BD00] =	vst v63  }
0x2d: {  	_ =	swait.ge [sflag:s10], $0x1F40  }
0x2e: {  	[sflag:s10] =	ssyncset.done $0x0  }
0x2f: {  	s14 =	simm.s32 $0x200;
	[sflag:s10] =	ssyncadd.s32 $0xFFFFE0C0  }
0x30: {  	[tilespmem:s13], [sflag:$0x1] =	stream.indirect.gather [hbm4b:s1+s12], $0x40, s14, s12, $0xb8;
	[tilespmem:$0x1BD00] =	vst v63  }
0x31: {  	_ =	swait.ge [sflag:s23], $0x1F40  }
0x32: {  	[sflag:s23] =	ssyncset.done $0x0  }
0x33: {  	s16 =	simm.s32 $0x5080;
	[sflag:s23] =	ssyncadd.s32 $0xFFFFE0C0  }
0x34: {  	[spmem:s3] =	stream.indirect.scatter.add.f32 [tilespmem:s15], [sflag:$0x5], $0x40, s16, s12, $0xb8;
	[tilespmem:$0x1BD00] =	vst v63  }
0x35: {  	_ =	swait.ge [sflag:s10], $0x1F40  }
0x36: {  	[sflag:s10] =	ssyncset.done $0x0  }
0x37: {  	s14 =	simm.s32 $0x280;
	[sflag:s10] =	ssyncadd.s32 $0xFFFFE0C0  }
0x38: {  	[tilespmem:s15], [sflag:$0x2] =	stream.indirect.gather [hbm4b:s1+s12], $0x40, s14, s12, $0xb8;
	[tilespmem:$0x1BD00] =	vst v63  }
0x39: {  	_ =	swait.ge [sflag:s24], $0x1F40  }
0x3a: {  	[sflag:s24] =	ssyncset.done $0x0  }
0x3b: {  	s16 =	simm.s32 $0x5100;
	[sflag:s24] =	ssyncadd.s32 $0xFFFFE0C0  }
0x3c: {  	[spmem:s3] =	stream.indirect.scatter.add.f32 [tilespmem:s17], [sflag:$0x5], $0x40, s16, s12, $0xb8;
	[tilespmem:$0x1BD00] =	vst v63  }
0x3d: {  	_ =	swait.ge [sflag:s10], $0x1F40  }
0x3e: {  	[sflag:s10] =	ssyncset.done $0x0  }
0x3f: {  	s14 =	simm.s32 $0x300;
	[sflag:s10] =	ssyncadd.s32 $0xFFFFE0C0  }
0x40: {  	[tilespmem:s17], [sflag:$0x3] =	stream.indirect.gather [hbm4b:s1+s12], $0x40, s14, s12, $0xb8;
	[tilespmem:$0x1BD00] =	vst v63  }
0x41: {  	_ =	swait.ge [sflag:s25], $0x1F40  }
0x42: {  	[sflag:s25] =	ssyncset.done $0x0  }
0x43: {  	s16 =	simm.s32 $0x5180;
	[sflag:s25] =	ssyncadd.s32 $0xFFFFE0C0  }
0x44: {  	[spmem:s3] =	stream.indirect.scatter.add.f32 [tilespmem:s19], [sflag:$0x5], $0x40, s16, s12, $0xb8;
	[tilespmem:$0x1BD00] =	vst v63  }
0x45: {  	_ =	swait.ge [sflag:s10], $0x1F40  }
0x46: {  	[sflag:s10] =	ssyncset.done $0x0  }
0x47: {  	s11 =	simm.s32 $0x800;
	s14 =	simm.s32 $0x380;
	[sflag:s10] =	ssyncadd.s32 $0xFFFFE0C0  }
.LBB2_2:
0x48: {  	[tilespmem:s19], [sflag:$0x4] =	stream.indirect.gather [hbm4b:s1+s12], $0x40, s14, s12, $0xb8;
	[tilespmem:$0x1BD00] =	vst v63  }
0x49: {  	s14 =	smov.u32 s11  }
0x4a: {  	p0 =	sne.s32 s11, $0x13000;
	s11 =	sadd.s32 $0x800, s11;
	_ =	swait.ge [sflag:s22], $0x1F40  }
0x4b: {  	s14 =	sshra.s32 s14, $0x2;
	[sflag:s22] =	ssyncset.done $0x0  }
0x4c: {  	s16 =	sadd.s32 $0x5000, s14;
	[sflag:s22] =	ssyncadd.s32 $0xFFFFE0C0  }
0x4d: {  	[spmem:s3] =	stream.indirect.scatter.add.f32 [tilespmem:s13], [sflag:$0x5], $0x40, s16, s12, $0xb8;
	[tilespmem:$0x1BD00] =	vst v63  }
0x4e: {  	_ =	swait.ge [sflag:s10], $0x1F40  }
0x4f: {  	[sflag:s10] =	ssyncset.done $0x0  }
0x50: {  	s16 =	sadd.s32 $0x200, s14;
	[sflag:s10] =	ssyncadd.s32 $0xFFFFE0C0  }
0x51: {  	[tilespmem:s13], [sflag:$0x1] =	stream.indirect.gather [hbm4b:s1+s12], $0x40, s16, s12, $0xb8;
	[tilespmem:$0x1BD00] =	vst v63  }
0x52: {  	_ =	swait.ge [sflag:s23], $0x1F40  }
0x53: {  	[sflag:s23] =	ssyncset.done $0x0  }
0x54: {  	s16 =	sadd.s32 $0x5080, s14;
	[sflag:s23] =	ssyncadd.s32 $0xFFFFE0C0  }
0x55: {  	[spmem:s3] =	stream.indirect.scatter.add.f32 [tilespmem:s15], [sflag:$0x5], $0x40, s16, s12, $0xb8;
	[tilespmem:$0x1BD00] =	vst v63  }
0x56: {  	_ =	swait.ge [sflag:s10], $0x1F40  }
0x57: {  	[sflag:s10] =	ssyncset.done $0x0  }
0x58: {  	s16 =	sadd.s32 $0x280, s14;
	[sflag:s10] =	ssyncadd.s32 $0xFFFFE0C0  }
0x59: {  	[tilespmem:s15], [sflag:$0x2] =	stream.indirect.gather [hbm4b:s1+s12], $0x40, s16, s12, $0xb8;
	[tilespmem:$0x1BD00] =	vst v63  }
0x5a: {  	_ =	swait.ge [sflag:s24], $0x1F40  }
0x5b: {  	[sflag:s24] =	ssyncset.done $0x0  }
0x5c: {  	s16 =	sadd.s32 $0x5100, s14;
	[sflag:s24] =	ssyncadd.s32 $0xFFFFE0C0  }
0x5d: {  	[spmem:s3] =	stream.indirect.scatter.add.f32 [tilespmem:s17], [sflag:$0x5], $0x40, s16, s12, $0xb8;
	[tilespmem:$0x1BD00] =	vst v63  }
0x5e: {  	_ =	swait.ge [sflag:s10], $0x1F40  }
0x5f: {  	[sflag:s10] =	ssyncset.done $0x0  }
0x60: {  	s16 =	sadd.s32 $0x300, s14;
	[sflag:s10] =	ssyncadd.s32 $0xFFFFE0C0  }
0x61: {  	[tilespmem:s17], [sflag:$0x3] =	stream.indirect.gather [hbm4b:s1+s12], $0x40, s16, s12, $0xb8;
	[tilespmem:$0x1BD00] =	vst v63  }
0x62: {  	_ =	swait.ge [sflag:s25], $0x1F40  }
0x63: {  	[sflag:s25] =	ssyncset.done $0x0  }
.Ltmp0:
0x64: {  	s16 =	sadd.s32 $0x5180, s14;
	[sflag:s25] =	ssyncadd.s32 $0xFFFFE0C0;
	(pc) =	sbr.rel @p0 .LBB2_2-.Ltmp0, $4  }
0x65: {  	[spmem:s3] =	stream.indirect.scatter.add.f32 [tilespmem:s19], [sflag:$0x5], $0x40, s16, s12, $0xb8;
	[tilespmem:$0x1BD00] =	vst v63  }
0x66: {  	_ =	swait.ge [sflag:s10], $0x1F40  }
0x67: {  	[sflag:s10] =	ssyncset.done $0x0  }
0x68: {  	s14 =	sadd.s32 $0x380, s14;
	[sflag:s10] =	ssyncadd.s32 $0xFFFFE0C0  }
0x69: {  	[tilespmem:s19], [sflag:$0x4] =	stream.indirect.gather [hbm4b:s1+s12], $0x40, s14, s12, $0xb8;
	[tilespmem:$0x1BD00] =	vst v63  }
0x6a: {  	_ =	swait.ge [sflag:s22], $0x1F40  }
0x6b: {  	[sflag:s22] =	ssyncset.done $0x0  }
0x6c: {  	[sflag:s22] =	ssyncadd.s32 $0xFFFFE0C0  }
0x6d: {  	[spmem:s3] =	stream.indirect.scatter.add.f32 [tilespmem:s13], [sflag:$0x5], $0x40, s26, s12, $0xb8;
	[tilespmem:$0x1BD00] =	vst v63  }
0x6e: {  	_ =	swait.ge [sflag:s10], $0x1F40  }
0x6f: {  	[sflag:s10] =	ssyncset.done $0x0  }
0x70: {  	[sflag:s10] =	ssyncadd.s32 $0xFFFFE0C0  }
0x71: {  	_ =	swait.ge [sflag:s23], $0x1F40  }
0x72: {  	[sflag:s23] =	ssyncset.done $0x0  }
0x73: {  	[sflag:s23] =	ssyncadd.s32 $0xFFFFE0C0  }
0x74: {  	[spmem:s3] =	stream.indirect.scatter.add.f32 [tilespmem:s15], [sflag:$0x5], $0x40, s28, s12, $0xb8;
	[tilespmem:$0x1BD00] =	vst v63  }
0x75: {  	_ =	swait.ge [sflag:s10], $0x1F40  }
0x76: {  	[sflag:s10] =	ssyncset.done $0x0  }
0x77: {  	[sflag:s10] =	ssyncadd.s32 $0xFFFFE0C0  }
0x78: {  	_ =	swait.ge [sflag:s24], $0x1F40  }
0x79: {  	[sflag:s24] =	ssyncset.done $0x0  }
0x7a: {  	[sflag:s24] =	ssyncadd.s32 $0xFFFFE0C0  }
0x7b: {  	[spmem:s3] =	stream.indirect.scatter.add.f32 [tilespmem:s17], [sflag:$0x5], $0x40, s29, s12, $0xb8;
	[tilespmem:$0x1BD00] =	vst v63  }
0x7c: {  	_ =	swait.ge [sflag:s10], $0x1F40  }
0x7d: {  	[sflag:s10] =	ssyncset.done $0x0  }
0x7e: {  	[sflag:s10] =	ssyncadd.s32 $0xFFFFE0C0  }
0x7f: {  	_ =	swait.ge [sflag:s25], $0x1F40  }
0x80: {  	[sflag:s25] =	ssyncset.done $0x0  }
0x81: {  	[sflag:s25] =	ssyncadd.s32 $0xFFFFE0C0  }
0x82: {  	[spmem:s3] =	stream.indirect.scatter.add.f32 [tilespmem:s19], [sflag:$0x5], $0x40, s30, s12, $0xb8;
	[tilespmem:$0x1BD00] =	vst v63  }
0x83: {  	_ =	swait.ge [sflag:s10], $0x1F40  }
0x84: {  	s2 =	sadd.s32 $0x1, s2;
	[sflag:s10] =	ssyncset.done $0x0  }
0x85: {  	p0 =	sne.s32 s2, s9;
	[sflag:s10] =	ssyncadd.s32 $0xFFFFE0C0  }
.Ltmp1:
0x86: {  	[bflag:$0x0] =	sbarrier.arrive $0xFFFF;
	(pc) =	sbr.rel @p0 .LBB2_1-.Ltmp1, $4  }
0x87: {  	[hbm:s8@s31], [sflag:s20] =	dma.strided [spmem:s21@s0], $0x1400, s22, $0x8   }
0x88: {  	_ =	swait.ge [sflag:s10], $0x1400  }
0x89: {  	[sflag:s10] =	ssyncset.done $0x0  }
0x8a: {  	[sflag:s10] =	ssyncadd.s32 $0xFFFFEC00  }
0x8b: {  	_ =	sfence.sel $0x180000  }
0x8c: {  	[bflag:$0x0] =	sbarrier.arrive $0xFFFF  }
0x8d: {  	_ =	strace $0x90000047  }
0x8e: {  	s0 =	stileid.u32;
	[bflag:$0x2] =	sbarrier.arrive $0xFFFF  }
0x8f: {  	p0 =	sne.s32 s0, $0x0;
	s0 =	rddreg [dreg:$0x4]  }
0x90: {  	s0 =	sadd.s32 @!p0 $0x100000, s0  }
0x91: {  	[sflag:s0] =	ssyncadd.tile.s32 @!p0 $0x1;
	_ =	shalt  }
.Lfunc_end2:
_tile_overlayer_lowered:
.L_overlay_start_2:
0x92: {  	(tag) =	ssettag $0x2  }
0x93: {  	s0 =	rddreg [dreg:$0x0];
	s2 =	stileid.u32  }
0x94: {  	s1 =	rddreg [dreg:$0x1];
	p0 =	sne.s32 s2, $0x0  }
0x95: {  	s3 =	rddreg [dreg:$0x2];
	[bflag:$0x3] =	sbarrier.arrive $0xFFFF;
	s2 =	simm.s32 @!p0 $0x1C05  }
0x96: {  	[timem:s3], [sflag:s2] =	dma.local @!p0 [hbm:s0], s1  }
0x97: {  	s0 =	simm.s32 @!p0 $0x5  }
0x98: {  	_ =	swait.ge @!p0 [sflag:s0], s1  }
0x99: {  	s1 =	ssub.s32 @!p0 $0x0, s1;
	[sflag:s0] =	ssyncset.done @!p0 $0x0  }
0x9a: {  	[sflag:s0] =	ssyncadd.s32 @!p0 s1  }
0x9b: {  	[bflag:$0x3] =	sbarrier.arrive $0xFFFF  }
0x9c: {  	_ =	shalt  }

// kernel: kernel.9.cloned.1.call-start
scs
__scs_entry_jumppad:
0x0: {  	(pc) =	sbr.rel $0x88, $3  }
0x1: {  	(tag) =	ssettag $0x0;
	lr =	simm.s32 $0x1  }
0x2: {  	[smem:$0x3F93] =	sst lr;
	_ =	strace $0xD0000000  }
0x3: {  	_ = 	snop  }
0x4: {  	_ = 	snop  }
0x5: {  	_ = 	snop  }
0x6: {  	_ = 	snop  }
0x7: {  	_ = 	snop  }
__scs_overlays_trampoline_lowered:
0x8: {  	[smem:$0x3FA2] =	sst s0  }
0x9: {  	[smem:$0x3FA3] =	sst s1  }
0xa: {  	[smem:$0x3FA4] =	sst s2  }
0xb: {  	[smem:$0x3FA5] =	sst s3  }
0xc: {  	[smem:$0x3FA6] =	sst s4  }
0xd: {  	[smem:$0x3FA7] =	sst s5  }
0xe: {  	[smem:$0x3FA8] =	sst s6  }
0xf: {  	[smem:$0x3FA9] =	sst s7  }
0x10: {  	[smem:$0x3FAA] =	sst s8  }
0x11: {  	[smem:$0x3FAB] =	sst s9;
	s0 =	simm.s32 @!p0 $0x0  }
0x12: {  	s1 =	sld [smem:$0x3F91];
	s0 =	simm.s32 @p0 $0x1  }
0x13: {  	[smem:$0x3FAC] =	sst s0;
	s0 =	simm.s32 @!p1 $0x0  }
0x14: {  	s2 =	sld [smem:$0x3F90];
	s0 =	simm.s32 @p1 $0x1  }
0x15: {  	[smem:$0x3FAD] =	sst s0;
	s0 =	simm.s32 @!p2 $0x0  }
0x16: {  	s3 =	sld [smem:$0x3FDB];
	s0 =	simm.s32 @p2 $0x1  }
0x17: {  	s4 =	simm.s32 $0x1BF5;
	[smem:$0x3FAF] =	sst s0  }
0x18: {  	s0 =	sld [smem:$0x3F92];
	_ =	swait.ge [sflag:s4], $0x0  }
0x19: {  	s7 =	sld [smem:$0x3F93]  }
0x1a: {  	s8 =	sadd.s32 $0xFFFFE003, lr  }
0x1b: {  	s9 =	sadd.s32 $0xFFFFFEF7, lr;
	s5 =	simm.s32 $0xFFFFFFFF;
	p2 =	slt.u32 s8, $0xFFFFF086  }
0x1c: {  	p1 =	slt.u32 s9, $0xF7A;
	s5 =	simm.s32 @!p2 $0x0  }
0x1d: {  	s5 =	simm.s32 @p1 $0x1;
	p0 =	seq.s32 s7, s2  }
0x1e: {  	s7 =	smul.u32 @!p0 $0xF7A, s2;
	p2 =	seq.s32 @!p0 s5, $0x0  }
0x1f: {  	s9 =	smul.u32 $0xF7A, s1;
	s8 =	simm.s32 @!p0 $0x1BF5;
	p2 =	por !p2, p0  }
0x20: {  	[sflag:s8] =	ssyncset.s32 @!p0 $0xFFFFF086;
	s6 =	sadd.s32 @!p0 s3, s7;
	s7 =	simm.s32 @!p0 $0x108  }
0x21: {  	s3 =	sadd.s32 s3, s9;
	s6 =	sadd.s32 @!p0 $0x88, s6;
	s7 =	simm.s32 @p2 $0x1082  }
0x22: {  	[simem:s7], [sflag:s8] =	dma.local @!p0 [hbm:s6], $0xF7A  }
0x23: {  	s9 =	sor.u32 $0xD0000000, s2;
	s6 =	simm.s32 $0x108;
	_ =	swait.ge @!p0 [sflag:s8], $0x0  }
0x24: {  	s3 =	sadd.s32 $0x88, s3;
	s6 =	simm.s32 @!p1 $0x1082;
	[sflag:s4] =	ssyncset.s32 $0xFFFFF086  }
0x25: {  	[simem:s6], [sflag:s4] =	dma.local [hbm:s3], $0xF7A  }
0x26: {  	[smem:$0x3F93] =	sst s1;
	(tag) =	ssettag s2;
	_ =	strace s9  }
0x27: {  	s1 =	sld [smem:$0x3FA3]  }
0x28: {  	s2 =	sld [smem:$0x3FA4]  }
0x29: {  	s4 =	sld [smem:$0x3FA6]  }
0x2a: {  	p0 =	seq.s32 s5, $0x0;
	s5 =	sld [smem:$0x3FA7]  }
0x2b: {  	s6 =	sld [smem:$0x3FA8]  }
0x2c: {  	s7 =	sld [smem:$0x3FA9]  }
0x2d: {  	s3 =	simm.s32 $0x108;
	s8 =	sld [smem:$0x3FAA]  }
0x2e: {  	s3 =	simm.s32 @!p0 $0x1082;
	s9 =	sld [smem:$0x3FAB]  }
0x2f: {  	lr =	sadd.s32 s0, s3;
	s0 =	sld [smem:$0x3FA2]  }
0x30: {  	s3 =	sld [smem:$0x3FA5]  }
0x31: {  	[smem:$0x3FAE] =	sst s10  }
0x32: {  	s10 =	sld [smem:$0x3FAC];
	_ =	sdelay $0x3  }
0x33: {  	p0 =	seq.s32 s10, $0x1;
	s10 =	sld [smem:$0x3FAE];
	_ =	sdelay $0x3  }
0x34: {  	[smem:$0x3FAE] =	sst s10  }
0x35: {  	s10 =	sld [smem:$0x3FAD];
	_ =	sdelay $0x3  }
0x36: {  	p1 =	seq.s32 s10, $0x1;
	s10 =	sld [smem:$0x3FAE];
	_ =	sdelay $0x3  }
0x37: {  	[smem:$0x3FAE] =	sst s10  }
0x38: {  	s10 =	sld [smem:$0x3FAF]  }
0x39: {  	_ = 	snop;
	(pc) =	sbr.ind lr, $3  }
0x3a: {  	_ = 	snop  }
0x3b: {  	_ = 	snop  }
0x3c: {  	p2 =	seq.s32 s10, $0x1;
	s10 =	sld [smem:$0x3FAE]  }
0x3d: {  	_ =	shalt  }
0x3e: {  	_ =	shalt  }
0x3f: {  	_ =	shalt  }
0x40: {  	_ =	shalt  }
0x41: {  	_ =	shalt  }
0x42: {  	_ =	shalt  }
0x43: {  	_ =	shalt  }
0x44: {  	_ =	shalt  }
0x45: {  	_ =	shalt  }
0x46: {  	_ =	shalt  }
0x47: {  	_ =	shalt  }
0x48: {  	_ =	shalt  }
0x49: {  	_ =	shalt  }
0x4a: {  	_ =	shalt  }
0x4b: {  	_ =	shalt  }
0x4c: {  	_ =	shalt  }
0x4d: {  	_ =	shalt  }
0x4e: {  	_ =	shalt  }
0x4f: {  	_ =	shalt  }
0x50: {  	_ =	shalt  }
0x51: {  	_ =	shalt  }
0x52: {  	_ =	shalt  }
0x53: {  	_ =	shalt  }
0x54: {  	_ =	shalt  }
0x55: {  	_ =	shalt  }
0x56: {  	_ =	shalt  }
0x57: {  	_ =	shalt  }
0x58: {  	_ =	shalt  }
0x59: {  	_ =	shalt  }
0x5a: {  	_ =	shalt  }
0x5b: {  	_ =	shalt  }
0x5c: {  	_ =	shalt  }
0x5d: {  	_ =	shalt  }
0x5e: {  	_ =	shalt  }
0x5f: {  	_ =	shalt  }
0x60: {  	_ =	shalt  }
0x61: {  	_ =	shalt  }
0x62: {  	_ =	shalt  }
0x63: {  	_ =	shalt  }
0x64: {  	_ =	shalt  }
0x65: {  	_ =	shalt  }
0x66: {  	_ =	shalt  }
0x67: {  	_ =	shalt  }
0x68: {  	_ =	shalt  }
0x69: {  	_ =	shalt  }
0x6a: {  	_ =	shalt  }
0x6b: {  	_ =	shalt  }
0x6c: {  	_ =	shalt  }
0x6d: {  	_ =	shalt  }
0x6e: {  	_ =	shalt  }
0x6f: {  	_ =	shalt  }
0x70: {  	_ =	shalt  }
0x71: {  	_ =	shalt  }
0x72: {  	_ =	shalt  }
0x73: {  	_ =	shalt  }
0x74: {  	_ =	shalt  }
0x75: {  	_ =	shalt  }
0x76: {  	_ =	shalt  }
0x77: {  	_ =	shalt  }
0x78: {  	_ =	shalt  }
0x79: {  	_ =	shalt  }
0x7a: {  	_ =	shalt  }
0x7b: {  	_ =	shalt  }
0x7c: {  	_ =	shalt  }
0x7d: {  	_ =	shalt  }
0x7e: {  	_ =	shalt  }
0x7f: {  	_ =	shalt  }
0x80: {  	_ =	shalt  }
0x81: {  	_ =	shalt  }
0x82: {  	_ =	shalt  }
0x83: {  	_ =	shalt  }
0x84: {  	_ =	shalt  }
0x85: {  	_ =	shalt  }
0x86: {  	_ =	shalt  }
0x87: {  	_ =	shalt  }
.Lfunc_end0:
.L_simem_size_0:
called_computation.1_lowered:
.L_overlay_start_0:
0x88: {  	s2 =	sld [smem:$0x3FD9]  }
0x89: {  	s3 =	sld [smem:$0x3FFE];
	_ =	sdelay $0x1  }
0x8a: {  	s1 =	srdreg.scid  }
0x8b: {  	s0 =	sand.u32 $0x1, s1  }
0x8c: {  	s17 =	sshll.u32 s0, $0xA;
	s2 =	sadd.s32 s3, s2  }
0x8d: {  	s2 =	sadd.s32 s2, s17  }
0x8e: {  	[smem:$0x3FBA] =	sst s2  }
0x8f: {  	_ = 	snop  }
0x90: {  	s2 =	sld [smem:$0x3FD0];
	(tm) =	ssettm $0x1  }
0x91: {  	s18 =	sld [smem:$0x3FFB];
	_ =	sdelay $0x3  }
0x92: {  	_ =	strace s18  }
0x93: {  	s3 =	sld [smem:$0x3FFC];
	_ =	sdelay $0x3  }
0x94: {  	_ =	strace s3  }
0x95: {  	s3 =	sld [smem:$0x3FFD];
	_ =	sdelay $0x3  }
0x96: {  	_ =	strace s3  }
0x97: {  	_ =	strace $0x8FFFFFFF  }
0x98: {  	s19 =	sld [smem:$0x3FDB];
	_ =	sdelay $0x1  }
0x99: {  	s4 =	simm.s32 $_scs_section_size  }
0x9a: {  	s5 =	simm.s32 $_size__tile_overlayer_lowered;
	s6 =	simm.s32 $_tile_overlayer_lowered  }
0x9b: {  	s22 =	simm.s32 $0x1BFF;
	s21 =	sshll.u32 s6, $0x1;
	s3 =	sadd.s32 s4, s19  }
0x9c: {  	s7 =	simm.s32 $0x0;
	s20 =	sshll.u32 s5, $0x1;
	s5 =	sadd.s32 s21, s3  }
0x9d: {  	[timem:s7], [sflag:s22] =	dma.local [hbm:s5], s20  }
0x9e: {  	_ =	swait.ge [sflag:s22], s20  }
0x9f: {  	s4 =	ssub.s32 $0x0, s20;
	[sflag:s22] =	ssyncset.done $0x0  }
0xa0: {  	[sflag:s22] =	ssyncadd.s32 s4;
	_ =	sdelay $0x1  }
0xa1: {  	s23 =	simm.s32 $0x1B8B  }
0xa2: {  	_ =	swait.ge [sflag:s23], $0x1  }
0xa3: {  	[sflag:s23] =	ssyncset.done $0x0  }
0xa4: {  	s25 =	simm.s32 $0x1B8E;
	s24 =	sld [smem:$0x3FFE];
	[sflag:s23] =	ssyncadd.s32 $0xFFFFFFFF  }
0xa5: {  	s26 =	simm.s32 $execute0_lowered;
	[smem:$0x3FD2] =	sst s25  }
0xa6: {  	s5 =	sshll.u32 s26, $0x1;
	_ =	strace $0x80000049;
	[dreg:$0x1] =	wrdreg $0xFFFFFFFF  }
0xa7: {  	s28 =	simm.s32 $_size_execute0_lowered;
	s3 =	sadd.s32 s3, s5;
	[dreg:$0x0] =	wrdreg $0x0  }
0xa8: {  	s5 =	sshll.u32 s28, $0x1;
	[dreg:$0x2] =	wrdreg s3  }
0xa9: {  	[dreg:$0x3] =	wrdreg s5  }
0xaa: {  	[dreg:$0x4] =	wrdreg $0xC0  }
0xab: {  	_ =	task [dreg:s7], $0x5FFFF  }
0xac: {  	[dreg:$0x1] =	wrdreg $0xFFFFFFFF  }
0xad: {  	[dreg:$0x0] =	wrdreg $0x60  }
0xae: {  	[dreg:$0x2] =	wrdreg s24  }
0xaf: {  	[dreg:$0x3] =	wrdreg s2  }
0xb0: {  	[dreg:$0x4] =	wrdreg $0xCD000  }
0xb1: {  	[dreg:$0x5] =	wrdreg $0x9  }
0xb2: {  	_ =	task.clear_ibuf [dreg:s7], $0x6FFFF;
	_ =	strace $0x90000049  }
0xb3: {  	s29 =	simm.s32 $0x9;
	_ =	strace $0x8000004B  }
0xb4: {  	_ =	swait.ge [sflag:s29], $0x1  }
0xb5: {  	[sflag:s29] =	ssyncadd.s32 $0xFFFFFFFF  }
0xb6: {  	_ =	strace $0x9000004B  }
0xb7: {  	_ =	sfence  }
0xb8: {  	s30 =	sld [smem:$0x0];
	_ =	sdelay $0x2  }
0xb9: {  	s31 =	sshll.u32 s1, $0xD;
	s1 =	sshrl.u32 s1, $0x2  }
0xba: {  	s3 =	sand.u32 $0x4000, s31;
	s1 =	sadd.s32 s1, s30  }
0xbb: {  	s0 =	sor.u32 s3, s0;
	s1 =	sshll.u32 s1, $0x11  }
0xbc: {  	s0 =	sor.u32 s1, s0  }
0xbd: {  	s0 =	sadd.s32 $0x8F2B, s0  }
0xbe: {  	[sflag:s0] =	ssyncadd.remote.s32 $0x1  }
0xbf: {  	_ =	sfence.sel $0xFFFF  }
0xc0: {  	[dreg:$0x0] =	wrdreg $0xFFFFFFFF;
	(pc) =	sbr.abs _section_cstart, $3  }
0xc1: {  	[dreg:$0x1] =	wrdreg $0xFFFFFFFF  }
0xc2: {  	_ =	task.clear_ibuf [dreg:s7], $0x2FFFF;
	_ =	strace $0x9FFFFFFF  }
0xc3: {  	(tm) =	ssettm $0x7FFFFFFF  }
tec
execute0_lowered:
.L_overlay_start_1:
0x0: {  	(tag) =	ssettag $0x1  }
0x1: {  	s0 =	rddreg [dreg:$0x0]  }
0x2: {  	s1 =	rddreg [dreg:$0x1]  }
0x3: {  	s2 =	rddreg [dreg:$0x2];
	s4 =	srdreg.scid  }
0x4: {  	s7 =	stileid.u32;
	s3 =	simm.s32 $0x0;
	s11 =	simm.s32 $0x9  }
0x5: {  	s13 =	simm.s32 $0x7D;
	s14 =	simm.s32 $0x5000;
	s18 =	simm.s32 $0x6F40  }
0x6: {  	s22 =	simm.s32 $0x8E80;
	s29 =	simm.s32 $0xBD60;
	s30 =	simm.s32 $0x1  }
0x7: {  	s31 =	simm.s32 $0x3;
	s12 =	simm.s32 $0x8;
	s15 =	simm.s32 $0x0  }
0x8: {  	s5 =	sand.u32 $0x1, s4;
	s24 =	sshll.u32 s7, $0x1;
	[smem:$0x7FF] =	sst s3  }
0x9: {  	s7 =	smul.u32 $0x5000, s7;
	s4 =	sadd.s32 $0x1C00, s0;
	s6 =	sor.u32 s5, s24  }
0xa: {  	_ =	strace $0x8000004A;
	s9 =	ssub.s32 $0x2, s5;
	s5 =	smul.u32 $0x50000, s5  }
0xb: {  	s6 =	smul.u32 $0x500, s6;
	s8 =	sshrl.u32 s7, $0x3;
	s25 =	sshrl.u32 s9, $0x1  }
0xc: {  	s28 =	sadd.s32 s7, s2;
	s10 =	ssub.s32 s9, s25;
	s5 =	sadd.s32 s7, s5  }
.Ltmp0:
0xd: {  	[dreg:$0x6] =	wrdreg s28;
	s6 =	sadd.s32 s6, s0;
	(pc) =	sbr.rel .LBB2_1-.Ltmp0, $4  }
0xe: {  	s0 =	sadd.s32 s8, s0;
	s5 =	sshrl.u32 s5, $0x3;
	s10 =	smax.u32 s10, $0x1  }
0xf: {  	s26 =	sadd.s32 $0x47C00, s6;
	s6 =	sadd.s32 $0x51C00, s6;
	s8 =	sadd.s32 $0xBA00, s0  }
0x10: {  	s9 =	sadd.s32 s1, s5;
	s0 =	simm.s32 $0x5;
	[dreg:$0x4] =	wrdreg s26  }
0x11: {  	s1 =	simm.s32 $0x7;
	[dreg:$0x5] =	wrdreg s6;
	s26 =	simm.s32 $0xADC0  }
.LBB2_4:
0x12: {  	_ =	swait.ge [sflag:s12], $0xFA0  }
0x13: {  	[sflag:s12] =	ssyncset.done $0x0  }
0x14: {  	[sflag:s12] =	ssyncadd.s32 $0xFFFFF060  }
0x15: {  	[spmem:s2] =	stream.indirect.scatter.add.f32 [tilespmem:s29], [sflag:$0x9], $0x20, s5, s13, $0xb8;
	[tilespmem:$0x11D00] =	vst v63  }
0x16: {  	_ =	swait.ge [sflag:s11], $0xFA0  }
0x17: {  	s15 =	sadd.s32 $0x1, s15;
	[sflag:s11] =	ssyncset.done $0x0  }
0x18: {  	p0 =	sne.s32 s15, s10;
	[sflag:s11] =	ssyncadd.s32 $0xFFFFF060  }
.Ltmp1:
0x19: {  	[bflag:$0x0] =	sbarrier.arrive $0xFFFF;
	(pc) =	sbr.rel @!p0 .LBB2_5-.Ltmp1, $4  }
0x1a: {  	[hbm:s9], [sflag:s16] =	dma.local [spmem:s17], $0xA00  }
0x1b: {  	_ =	swait.ge [sflag:s11], $0xA00  }
0x1c: {  	[sflag:s11] =	ssyncset.done $0x0  }
0x1d: {  	[sflag:s11] =	ssyncadd.s32 $0xFFFFF600  }
.LBB2_1:
0x1e: {  	s5 =	rddreg [dreg:$0x4]  }
0x1f: {  	[tilespmem:s3], [sflag:$0x9] =	stream.linear.gather [hbm4b:s5+s3], $0x2800, $0x38;
	[tilespmem:$0x11D00] =	vst v63  }
0x20: {  	_ =	swait.ge [sflag:s11], $0x2800  }
0x21: {  	[sflag:s11] =	ssyncset.done $0x0  }
0x22: {  	s6 =	simm.s32 $0x2800;
	s24 =	rddreg [dreg:$0x5];
	[sflag:s11] =	ssyncadd.s32 $0xFFFFD800  }
0x23: {  	[tilespmem:s6], [sflag:$0x9] =	stream.linear.gather [hbm4b:s24+s3], $0x2800, $0x38;
	[tilespmem:$0x11D00] =	vst v63  }
0x24: {  	_ =	swait.ge [sflag:s11], $0x2800  }
0x25: {  	[sflag:s11] =	ssyncset.done $0x0  }
0x26: {  	[sflag:s11] =	ssyncadd.s32 $0xFFFFD800  }
0x27: {  	[tilespmem:s14], [sflag:$0x1] =	stream.indirect.gather [hbm4b:s4+s13], $0x20, s3, s13, $0xb8;
	[tilespmem:$0x11D00] =	vst v63  }
0x28: {  	s25 =	simm.s32 $0x80;
	s28 =	simm.s32 $0x5FA0  }
0x29: {  	[tilespmem:s28], [sflag:$0x2] =	stream.indirect.gather [hbm4b:s4+s13], $0x20, s25, s13, $0xb8;
	[tilespmem:$0x11D00] =	vst v63  }
0x2a: {  	s7 =	simm.s32 $0x100  }
0x2b: {  	[tilespmem:s18], [sflag:$0x3] =	stream.indirect.gather [hbm4b:s4+s13], $0x20, s7, s13, $0xb8;
	[tilespmem:$0x11D00] =	vst v63  }
0x2c: {  	s16 =	simm.s32 $0x180;
	s17 =	simm.s32 $0x7EE0  }
0x2d: {  	[tilespmem:s17], [sflag:$0x4] =	stream.indirect.gather [hbm4b:s4+s13], $0x20, s16, s13, $0xb8;
	[tilespmem:$0x11D00] =	vst v63  }
0x2e: {  	s19 =	simm.s32 $0x200  }
0x2f: {  	[tilespmem:s22], [sflag:$0x5] =	stream.indirect.gather [hbm4b:s4+s13], $0x20, s19, s13, $0xb8;
	[tilespmem:$0x11D00] =	vst v63  }
0x30: {  	s20 =	simm.s32 $0x280;
	s21 =	simm.s32 $0x9E20;
	s25 =	stileid.u32  }
0x31: {  	[tilespmem:s21], [sflag:$0x6] =	stream.indirect.gather [hbm4b:s4+s13], $0x20, s20, s13, $0xb8;
	[tilespmem:$0x11D00] =	vst v63  }
0x32: {  	s23 =	simm.s32 $0x300;
	s28 =	rddreg [dreg:$0x6];
	s5 =	sshll.u32 s25, $0x6  }
0x33: {  	[tilespmem:s26], [sflag:$0x7] =	stream.indirect.gather [hbm4b:s4+s13], $0x20, s23, s13, $0xb8;
	[tilespmem:$0x11D00] =	vst v63  }
0x34: {  	s24 =	simm.s32 $0x380;
	s16 =	sor.u32 $0x1C09, s5;
	s17 =	sshrl.u32 s28, $0x3  }
0x35: {  	[tilespmem:s29], [sflag:$0x8] =	stream.indirect.gather [hbm4b:s4+s13], $0x20, s24, s13, $0xb8;
	[tilespmem:$0x11D00] =	vst v63  }
0x36: {  	[spmem:s17], [sflag:s16] =	dma.local [hbm:s8], $0xA00  }
0x37: {  	_ =	swait.ge [sflag:s11], $0xA00  }
0x38: {  	[sflag:s11] =	ssyncset.done $0x0  }
0x39: {  	[sflag:s11] =	ssyncadd.s32 $0xFFFFF600  }
0x3a: {  	s19 =	simm.s32 $0x0;
	[bflag:$0x0] =	sbarrier.arrive $0xFFFF  }
.LBB2_2:
0x3b: {  	_ =	swait.ge [sflag:s30], $0xFA0  }
0x3c: {  	s20 =	sshra.s32 s19, $0x2;
	[sflag:s30] =	ssyncset.done $0x0  }
0x3d: {  	s5 =	sadd.s32 $0x2800, s20;
	[sflag:s30] =	ssyncadd.s32 $0xFFFFF060  }
0x3e: {  	[spmem:s2] =	stream.indirect.scatter.add.f32 [tilespmem:s14], [sflag:$0x9], $0x20, s5, s13, $0xb8;
	[tilespmem:$0x11D00] =	vst v63  }
0x3f: {  	_ =	swait.ge [sflag:s11], $0xFA0  }
0x40: {  	p0 =	seq.s32 s19, $0x9000;
	[sflag:s11] =	ssyncset.done $0x0  }
0x41: {  	s5 =	simm.s32 @p0 $0x2;
	[sflag:s11] =	ssyncadd.s32 $0xFFFFF060  }
0x42: {  	s24 =	sshra.s32 @p0 s19, $0x2;
	_ =	swait.ge @p0 [sflag:s5], $0xFA0  }
0x43: {  	s25 =	simm.s32 @p0 $0x7D;
	s21 =	simm.s32 @p0 $0x5FA0;
	[sflag:s5] =	ssyncset.done @p0 $0x0  }
0x44: {  	s28 =	simm.s32 @p0 $0x9;
	[sflag:s5] =	ssyncadd.s32 @p0 $0xFFFFF060;
	s5 =	sadd.s32 @p0 $0x2880, s24  }
0x45: {  	[spmem:s2] =	stream.indirect.scatter.add.f32 @p0 [tilespmem:s21], [sflag:$0x9], $0x20, s5, s25, $0xb8;
	[tilespmem:$0x11D00] =	vst v63  }
0x46: {  	_ =	swait.ge @p0 [sflag:s28], $0xFA0  }
0x47: {  	s23 =	simm.s32 @!p0 $0x7D;
	s21 =	sshra.s32 @!p0 s19, $0x2;
	[sflag:s28] =	ssyncset.done @p0 $0x0  }
0x48: {  	s6 =	simm.s32 @!p0 $0x5000;
	s5 =	sadd.s32 @!p0 $0x400, s21;
	[sflag:s28] =	ssyncadd.s32 @p0 $0xFFFFF060  }
0x49: {  	[tilespmem:s6], [sflag:$0x1] =	stream.indirect.gather @!p0 [hbm4b:s4+s23], $0x20, s5, s23, $0xb8;
	[tilespmem:$0x11D00] =	vst v63  }
0x4a: {  	s5 =	simm.s32 @!p0 $0x2  }
0x4b: {  	_ =	swait.ge @!p0 [sflag:s5], $0xFA0  }
0x4c: {  	[sflag:s5] =	ssyncset.done @!p0 $0x0  }
0x4d: {  	s6 =	simm.s32 @!p0 $0x5FA0;
	[sflag:s5] =	ssyncadd.s32 @!p0 $0xFFFFF060;
	s5 =	sadd.s32 @!p0 $0x2880, s21  }
0x4e: {  	[spmem:s2] =	stream.indirect.scatter.add.f32 @!p0 [tilespmem:s6], [sflag:$0x9], $0x20, s5, s23, $0xb8;
	[tilespmem:$0x11D00] =	vst v63  }
0x4f: {  	s5 =	simm.s32 @!p0 $0x9  }
0x50: {  	_ =	swait.ge @!p0 [sflag:s5], $0xFA0  }
0x51: {  	[sflag:s5] =	ssyncset.done @!p0 $0x0  }
0x52: {  	s7 =	sadd.s32 @!p0 $0x480, s21;
	[sflag:s5] =	ssyncadd.s32 @!p0 $0xFFFFF060  }
0x53: {  	[tilespmem:s6], [sflag:$0x2] =	stream.indirect.gather @!p0 [hbm4b:s4+s23], $0x20, s7, s23, $0xb8;
	[tilespmem:$0x11D00] =	vst v63  }
0x54: {  	_ =	swait.ge [sflag:s31], $0xFA0  }
0x55: {  	[sflag:s31] =	ssyncset.done $0x0  }
0x56: {  	s7 =	sadd.s32 $0x2900, s20;
	[sflag:s31] =	ssyncadd.s32 $0xFFFFF060  }
0x57: {  	[spmem:s2] =	stream.indirect.scatter.add.f32 [tilespmem:s18], [sflag:$0x9], $0x20, s7, s13, $0xb8;
	[tilespmem:$0x11D00] =	vst v63  }
0x58: {  	_ =	swait.ge [sflag:s11], $0xFA0  }
0x59: {  	[sflag:s11] =	ssyncset.done $0x0  }
0x5a: {  	s6 =	simm.s32 @p0 $0x4;
	[sflag:s11] =	ssyncadd.s32 $0xFFFFF060  }
0x5b: {  	_ =	swait.ge @p0 [sflag:s6], $0xFA0  }
0x5c: {  	[sflag:s6] =	ssyncset.done @p0 $0x0  }
0x5d: {  	s7 =	simm.s32 @p0 $0x7EE0;
	[sflag:s6] =	ssyncadd.s32 @p0 $0xFFFFF060;
	s6 =	sadd.s32 @p0 $0x2980, s24  }
0x5e: {  	[spmem:s2] =	stream.indirect.scatter.add.f32 @p0 [tilespmem:s7], [sflag:$0x9], $0x20, s6, s25, $0xb8;
	[tilespmem:$0x11D00] =	vst v63  }
0x5f: {  	_ =	swait.ge @p0 [sflag:s28], $0xFA0  }
0x60: {  	[sflag:s28] =	ssyncset.done @p0 $0x0  }
0x61: {  	s6 =	sadd.s32 @!p0 $0x500, s21;
	s7 =	simm.s32 @!p0 $0x6F40;
	[sflag:s28] =	ssyncadd.s32 @p0 $0xFFFFF060  }
0x62: {  	[tilespmem:s7], [sflag:$0x3] =	stream.indirect.gather @!p0 [hbm4b:s4+s23], $0x20, s6, s23, $0xb8;
	[tilespmem:$0x11D00] =	vst v63  }
0x63: {  	s6 =	simm.s32 @!p0 $0x4  }
0x64: {  	_ =	swait.ge @!p0 [sflag:s6], $0xFA0  }
0x65: {  	[sflag:s6] =	ssyncset.done @!p0 $0x0  }
0x66: {  	s7 =	simm.s32 @!p0 $0x7EE0;
	[sflag:s6] =	ssyncadd.s32 @!p0 $0xFFFFF060;
	s6 =	sadd.s32 @!p0 $0x2980, s21  }
0x67: {  	[spmem:s2] =	stream.indirect.scatter.add.f32 @!p0 [tilespmem:s7], [sflag:$0x9], $0x20, s6, s23, $0xb8;
	[tilespmem:$0x11D00] =	vst v63  }
0x68: {  	_ =	swait.ge @!p0 [sflag:s5], $0xFA0  }
0x69: {  	[sflag:s5] =	ssyncset.done @!p0 $0x0  }
0x6a: {  	s6 =	sadd.s32 @!p0 $0x580, s21;
	[sflag:s5] =	ssyncadd.s32 @!p0 $0xFFFFF060  }
0x6b: {  	[tilespmem:s7], [sflag:$0x4] =	stream.indirect.gather @!p0 [hbm4b:s4+s23], $0x20, s6, s23, $0xb8;
	[tilespmem:$0x11D00] =	vst v63  }
0x6c: {  	_ =	swait.ge [sflag:s0], $0xFA0  }
0x6d: {  	[sflag:s0] =	ssyncset.done $0x0  }
0x6e: {  	s7 =	sadd.s32 $0x2A00, s20;
	[sflag:s0] =	ssyncadd.s32 $0xFFFFF060  }
0x6f: {  	[spmem:s2] =	stream.indirect.scatter.add.f32 [tilespmem:s22], [sflag:$0x9], $0x20, s7, s13, $0xb8;
	[tilespmem:$0x11D00] =	vst v63  }
0x70: {  	_ =	swait.ge [sflag:s11], $0xFA0  }
0x71: {  	[sflag:s11] =	ssyncset.done $0x0  }
0x72: {  	s6 =	simm.s32 @p0 $0x6;
	[sflag:s11] =	ssyncadd.s32 $0xFFFFF060  }
0x73: {  	_ =	swait.ge @p0 [sflag:s6], $0xFA0  }
0x74: {  	[sflag:s6] =	ssyncset.done @p0 $0x0  }
0x75: {  	s7 =	simm.s32 @p0 $0x9E20;
	[sflag:s6] =	ssyncadd.s32 @p0 $0xFFFFF060;
	s6 =	sadd.s32 @p0 $0x2A80, s24  }
0x76: {  	[spmem:s2] =	stream.indirect.scatter.add.f32 @p0 [tilespmem:s7], [sflag:$0x9], $0x20, s6, s25, $0xb8;
	[tilespmem:$0x11D00] =	vst v63  }
0x77: {  	_ =	swait.ge @p0 [sflag:s28], $0xFA0  }
0x78: {  	[sflag:s28] =	ssyncset.done @p0 $0x0  }
0x79: {  	s6 =	sadd.s32 @!p0 $0x600, s21;
	s7 =	simm.s32 @!p0 $0x8E80;
	[sflag:s28] =	ssyncadd.s32 @p0 $0xFFFFF060  }
0x7a: {  	[tilespmem:s7], [sflag:$0x5] =	stream.indirect.gather @!p0 [hbm4b:s4+s23], $0x20, s6, s23, $0xb8;
	[tilespmem:$0x11D00] =	vst v63  }
0x7b: {  	s6 =	simm.s32 @!p0 $0x6  }
0x7c: {  	_ =	swait.ge @!p0 [sflag:s6], $0xFA0  }
0x7d: {  	[sflag:s6] =	ssyncset.done @!p0 $0x0  }
0x7e: {  	s7 =	simm.s32 @!p0 $0x9E20;
	[sflag:s6] =	ssyncadd.s32 @!p0 $0xFFFFF060;
	s6 =	sadd.s32 @!p0 $0x2A80, s21  }
0x7f: {  	[spmem:s2] =	stream.indirect.scatter.add.f32 @!p0 [tilespmem:s7], [sflag:$0x9], $0x20, s6, s23, $0xb8;
	[tilespmem:$0x11D00] =	vst v63  }
0x80: {  	_ =	swait.ge @!p0 [sflag:s5], $0xFA0  }
0x81: {  	[sflag:s5] =	ssyncset.done @!p0 $0x0  }
0x82: {  	[sflag:s5] =	ssyncadd.s32 @!p0 $0xFFFFF060;
	s5 =	sadd.s32 @!p0 $0x680, s21  }
0x83: {  	[tilespmem:s7], [sflag:$0x6] =	stream.indirect.gather @!p0 [hbm4b:s4+s23], $0x20, s5, s23, $0xb8;
	[tilespmem:$0x11D00] =	vst v63  }
0x84: {  	_ =	swait.ge [sflag:s1], $0xFA0  }
0x85: {  	[sflag:s1] =	ssyncset.done $0x0  }
.Ltmp2:
0x86: {  	s28 =	sadd.s32 $0x2B00, s20;
	[sflag:s1] =	ssyncadd.s32 $0xFFFFF060;
	(pc) =	sbr.rel @p0 .LBB2_4-.Ltmp2, $4  }
0x87: {  	[spmem:s2] =	stream.indirect.scatter.add.f32 [tilespmem:s26], [sflag:$0x9], $0x20, s28, s13, $0xb8;
	[tilespmem:$0x11D00] =	vst v63  }
0x88: {  	_ =	swait.ge [sflag:s11], $0xFA0  }
0x89: {  	[sflag:s11] =	ssyncset.done $0x0  }
0x8a: {  	s5 =	sadd.s32 $0x2B80, s20;
	[sflag:s11] =	ssyncadd.s32 $0xFFFFF060  }
0x8b: {  	s6 =	sadd.s32 $0x700, s20  }
0x8c: {  	[tilespmem:s26], [sflag:$0x7] =	stream.indirect.gather [hbm4b:s4+s13], $0x20, s6, s13, $0xb8;
	[tilespmem:$0x11D00] =	vst v63  }
0x8d: {  	_ =	swait.ge [sflag:s12], $0xFA0  }
0x8e: {  	[sflag:s12] =	ssyncset.done $0x0  }
0x8f: {  	[sflag:s12] =	ssyncadd.s32 $0xFFFFF060  }
0x90: {  	[spmem:s2] =	stream.indirect.scatter.add.f32 [tilespmem:s29], [sflag:$0x9], $0x20, s5, s13, $0xb8;
	[tilespmem:$0x11D00] =	vst v63  }
.Ltmp3:
0x91: {  	_ = 	snop;
	(pc) =	sbr.rel .LBB2_2-.Ltmp3, $4  }
0x92: {  	_ =	swait.ge [sflag:s11], $0xFA0  }
0x93: {  	[sflag:s11] =	ssyncset.done $0x0  }
0x94: {  	s28 =	sadd.s32 $0x780, s20;
	s19 =	sadd.s32 $0x1000, s19;
	[sflag:s11] =	ssyncadd.s32 $0xFFFFF060  }
0x95: {  	[tilespmem:s29], [sflag:$0x8] =	stream.indirect.gather [hbm4b:s4+s13], $0x20, s28, s13, $0xb8;
	[tilespmem:$0x11D00] =	vst v63  }
.LBB2_5:
0x96: {  	_ =	sfence.sel $0x180000  }
0x97: {  	[bflag:$0x0] =	sbarrier.arrive $0xFFFF  }
0x98: {  	_ =	strace $0x9000004A  }
0x99: {  	s0 =	stileid.u32;
	[bflag:$0x2] =	sbarrier.arrive $0xFFFF  }
0x9a: {  	p0 =	sne.s32 s0, $0x0;
	s0 =	rddreg [dreg:$0x3]  }
0x9b: {  	s0 =	sadd.s32 @!p0 $0x100000, s0  }
0x9c: {  	[sflag:s0] =	ssyncadd.tile.s32 @!p0 $0x1;
	_ =	shalt  }
.Lfunc_end2:
_tile_overlayer_lowered:
.L_overlay_start_2:
0x9d: {  	(tag) =	ssettag $0x2  }
0x9e: {  	s0 =	rddreg [dreg:$0x0];
	s2 =	stileid.u32  }
0x9f: {  	s1 =	rddreg [dreg:$0x1];
	p0 =	sne.s32 s2, $0x0  }
0xa0: {  	s3 =	rddreg [dreg:$0x2];
	[bflag:$0x3] =	sbarrier.arrive $0xFFFF;
	s2 =	simm.s32 @!p0 $0x1C09  }
0xa1: {  	[timem:s3], [sflag:s2] =	dma.local @!p0 [hbm:s0], s1  }
0xa2: {  	s0 =	simm.s32 @!p0 $0x9  }
0xa3: {  	_ =	swait.ge @!p0 [sflag:s0], s1  }
0xa4: {  	s1 =	ssub.s32 @!p0 $0x0, s1;
	[sflag:s0] =	ssyncset.done @!p0 $0x0  }
0xa5: {  	[sflag:s0] =	ssyncadd.s32 @!p0 s1  }
0xa6: {  	[bflag:$0x3] =	sbarrier.arrive $0xFFFF  }
0xa7: {  	_ =	shalt  }

</sc_bundles>
